<compile_context>
chip_gen: v7x
topology: tpu7x:2x2x1
jax: 0.10.2.dev20260603
libtpu: 0.0.44.dev20260713+nightly
codegen_flags: <defaults>
</compile_context>

<pallas_src>
import functools

import jax
import jax.numpy as jnp
from jax import lax
from jax.experimental import pallas as pl
from jax.experimental.pallas import tpu as pltpu
from jax.experimental.pallas import tpu_sc as plsc

_N = 512
_P = 64
_E = 128


def _chunk16(pT_c, xsT_c):
    r = pT_c[:, None, :] - xsT_c[:, :, None]
    u = r[0:8] + r[8:16]
    u = u[0:4] + u[4:8]
    u = u[0:2] + u[2:4]
    return u[0] + u[1]


def _tree_sum_p(pT, xsT):
    s0 = _chunk16(pT[0:16], xsT[0:16])
    s1 = _chunk16(pT[16:32], xsT[16:32])
    s2 = _chunk16(pT[32:48], xsT[32:48])
    s3 = _chunk16(pT[48:64], xsT[48:64])
    return ((s0 + s1) + s2) + s3


def _argmin_body(x_ref, perm_ref, out_ref):
    xb = x_ref[...]
    bb, h, wb, p = xb.shape
    pT = perm_ref[...].T
    xmin = jnp.min(xb, axis=1, keepdims=True)
    xmax = jnp.max(xb, axis=1, keepdims=True)
    den = (xmax - xmin) + jnp.float32(1e-8)
    xs = (xb - xmin) / den
    for s in range(bb):
        t_tok = h * wb
        xs2 = xs[s].reshape(t_tok, p)
        xsT = xs2.T
        t = _tree_sum_p(pT, xsT)
        at = jnp.abs(t)
        m = jnp.min(at, axis=1, keepdims=True)
        ii = jax.lax.broadcasted_iota(jnp.int32, at.shape, 1)
        idx = jnp.min(jnp.where(at == m, ii, _N), axis=1)
        out_ref[s] = idx


def _gather_sc(emb, idx_pad, b_total):
    info = plsc.get_sparse_core_info()
    nw = info.num_cores * info.num_subcores
    b_per_w = b_total // nw
    mesh = plsc.VectorSubcoreMesh(core_axis_name="c", subcore_axis_name="s")

    @functools.partial(
        pl.kernel, mesh=mesh,
        out_type=jax.ShapeDtypeStruct((b_total, _E), jnp.float32),
        scratch_types=[
            pltpu.VMEM((b_per_w,), jnp.int32),
            pltpu.VMEM((b_per_w, _E), jnp.float32),
            pltpu.SemaphoreType.DMA,
        ],
    )
    def k(emb_hbm, idx_hbm, out_hbm, idx_v, rows_v, sem):
        wid = lax.axis_index("s") * info.num_cores + lax.axis_index("c")
        base = wid * b_per_w
        pltpu.sync_copy(idx_hbm.at[pl.ds(base, b_per_w)], idx_v)
        pltpu.async_copy(emb_hbm.at[idx_v], rows_v, sem).wait()
        pltpu.sync_copy(rows_v, out_hbm.at[pl.ds(base, b_per_w)])

    return k(emb, idx_pad)


def kernel(x, perm, emb):
    b, h, w, p = x.shape
    t_tok = h * w
    perm2 = perm.reshape(_N, _P)
    idx = pl.pallas_call(
        _argmin_body,
        out_shape=jax.ShapeDtypeStruct((b, t_tok), jnp.int32),
    )(x, perm2)
    n_tok = b * t_tok
    b_total = ((n_tok + 255) // 256) * 256
    idx_pad = jnp.pad(idx.reshape(n_tok), (0, b_total - n_tok))
    rows = _gather_sc(emb, idx_pad, b_total)
    return rows[:n_tok].reshape(b, h, w, _E)

# --- scband reference (transcript-rebuilt; emitter-appended) ---
"""Pipeline reference for scband-encoding-layer-filter-45294725103998 (READ-ONLY COPY).

The authoritative reference and input builder live on the scoring server;
editing this copy changes nothing except your own understanding.
"""

import jax, jax.numpy as jnp
import numpy as np

N_FILTERS = 512
PATCH = 64
ENC = 128

def setup_inputs(seed: int = 0) -> dict:
    key = jax.random.key(seed)
    k1, k2, k3 = jax.random.split(key, 3)
    x = jax.random.normal(k1, (4, 14, 14, PATCH), dtype=jnp.float32)
    rand = jax.random.uniform(k2, (N_FILTERS, PATCH), dtype=jnp.float32)
    perm = (jnp.floor(rand / 0.01) * 0.01).reshape(N_FILTERS, 1, 1, 1, PATCH)
    emb = jax.random.normal(k3, (N_FILTERS, ENC), dtype=jnp.float32) * 0.02
    return {"x": x, "perm": perm, "emb": emb}

def reference(x, perm, emb):
    # scale_last_dim (note: torch code normalizes over dim=1, faithfully kept)
    x_min = jnp.min(x, axis=1, keepdims=True)
    x_max = jnp.max(x, axis=1, keepdims=True)
    xs = (x - x_min) / (x_max - x_min + 1e-08)
    # r: (n, B, H, W, p) via broadcast of perm (n,1,1,1,p) against xs (B,H,W,p)
    r = perm - xs
    t = jnp.sum(r, axis=-1)              # (n, B, H, W)
    result = jnp.argmin(jnp.abs(t), axis=0)[None]  # (1, B, H, W), keepdim=True
    idx = jnp.transpose(result, (1, 2, 3, 0))      # (B, H, W, 1)
    out = jnp.take(emb, idx, axis=0)               # (B, H, W, 1, ENC)
    return jnp.squeeze(out, axis=-2)               # (B, H, W, ENC)

if __name__ == "__main__":
    import jax
    _d = setup_inputs()
    print(jax.jit(kernel)(*tuple(_d.values())))

</pallas_src>

<mosaic_0001>
#map = affine_map<(d0, d1) -> (0, 0)>
#map1 = affine_map<(d0, d1) -> (0)>
module attributes {stable_mosaic.version = 14 : i64} {
  func.func @k(%arg0: i32, %arg1: i32, %arg2: memref<512x128xf32, #tpu.memory_space<hbm>>, %arg3: memref<1024xi32, #tpu.memory_space<hbm>>, %arg4: memref<1024x128xf32, #tpu.memory_space<hbm>>, %arg5: memref<32xi32, #tpu.memory_space<vmem>>, %arg6: memref<32x128xf32, #tpu.memory_space<vmem>>, %arg7: memref<!tpu.dma_semaphore, #tpu.memory_space<semaphore_mem>>) attributes {dimension_semantics = [#tpu.dimension_semantics<core_parallel>, #tpu.dimension_semantics<subcore_parallel>], iteration_bounds = array<i64: 2, 16>, scalar_prefetch = 0 : i64, scratch_operands = 3 : i64, tpu.core_type = #tpu.core_type<sc_vector_subcore>, window_params = [{transform_indices = #map}, {transform_indices = #map1}, {transform_indices = #map}]} {
    %mul3A = arith.constant 2 : i32
    %mul3A_0 = arith.muli %arg1, %mul3A : i32
    %add3A = arith.addi %mul3A_0, %arg0 : i32
    %mul3A_1 = arith.constant 32 : i32
    %mul3A_2 = arith.muli %add3A, %mul3A_1 : i32
    "tpu.region"() ({
      %run_scoped3A = tpu.sem_alloc : memref<!tpu.dma_semaphore, #tpu.memory_space<semaphore_mem>>
      %dma_start3A_7 = tpu.memref_slice %arg3[%mul3A_2] : memref<1024xi32, #tpu.memory_space<hbm>> -> memref<32xi32, #tpu.memory_space<hbm>>
      %dma_start3A_8 = tpu.memref_slice %arg3[%mul3A_2] : memref<1024xi32, #tpu.memory_space<hbm>> -> memref<32xi32, #tpu.memory_space<hbm>>
      tpu.enqueue_dma source(%dma_start3A_8 : memref<32xi32, #tpu.memory_space<hbm>>) target(%arg5 : memref<32xi32, #tpu.memory_space<vmem>>) target_semaphore(%run_scoped3A : memref<!tpu.dma_semaphore, #tpu.memory_space<semaphore_mem>>)
      %dma_wait3A_9 = tpu.memref_slice %arg3[%mul3A_2] : memref<1024xi32, #tpu.memory_space<hbm>> -> memref<32xi32, #tpu.memory_space<hbm>>
      %dma_wait3A_10 = tpu.memref_slice %arg3[%mul3A_2] : memref<1024xi32, #tpu.memory_space<hbm>> -> memref<32xi32, #tpu.memory_space<hbm>>
      tpu.wait_dma2 semaphore(%run_scoped3A : memref<!tpu.dma_semaphore, #tpu.memory_space<semaphore_mem>>) src(%dma_wait3A_10 : memref<32xi32, #tpu.memory_space<hbm>>) dst(%arg5 : memref<32xi32, #tpu.memory_space<vmem>>)
      tpu.yield
    }) : () -> ()
    %dma_start3A = arith.constant 0 : i32
    %dma_start3A_3 = arith.constant 0 : i32
    %dma_start3A_4 = tpu.memref_slice %arg2[%dma_start3A, %dma_start3A_3] : memref<512x128xf32, #tpu.memory_space<hbm>> -> memref<512x128xf32, #tpu.memory_space<hbm>>
    tpu.enqueue_indirect_dma source(%dma_start3A_4 : memref<512x128xf32, #tpu.memory_space<hbm>>) target(%arg6 : memref<32x128xf32, #tpu.memory_space<vmem>>) offsets(%arg5 : memref<32xi32, #tpu.memory_space<vmem>>) semaphore(%arg7 : memref<!tpu.dma_semaphore, #tpu.memory_space<semaphore_mem>>)
    %dma_wait3A = arith.constant 0 : i32
    %dma_wait3A_5 = arith.constant 0 : i32
    %dma_wait3A_6 = tpu.memref_slice %arg2[%dma_wait3A, %dma_wait3A_5] : memref<512x128xf32, #tpu.memory_space<hbm>> -> memref<512x128xf32, #tpu.memory_space<hbm>>
    tpu.wait_indirect_dma semaphore(%arg7 : memref<!tpu.dma_semaphore, #tpu.memory_space<semaphore_mem>>) src(%dma_wait3A_6 : memref<512x128xf32, #tpu.memory_space<hbm>>) dst(%arg6 : memref<32x128xf32, #tpu.memory_space<vmem>>)
    "tpu.region"() ({
      %run_scoped3A = tpu.sem_alloc : memref<!tpu.dma_semaphore, #tpu.memory_space<semaphore_mem>>
      %dma_start3A_7 = arith.constant 0 : i32
      %dma_start3A_8 = tpu.memref_slice %arg4[%mul3A_2, %dma_start3A_7] : memref<1024x128xf32, #tpu.memory_space<hbm>> -> memref<32x128xf32, #tpu.memory_space<hbm>>
      %dma_start3A_9 = arith.constant 0 : i32
      %dma_start3A_10 = tpu.memref_slice %arg4[%mul3A_2, %dma_start3A_9] : memref<1024x128xf32, #tpu.memory_space<hbm>> -> memref<32x128xf32, #tpu.memory_space<hbm>>
      tpu.enqueue_dma source(%arg6 : memref<32x128xf32, #tpu.memory_space<vmem>>) target(%dma_start3A_10 : memref<32x128xf32, #tpu.memory_space<hbm>>) target_semaphore(%run_scoped3A : memref<!tpu.dma_semaphore, #tpu.memory_space<semaphore_mem>>)
      %dma_wait3A_11 = arith.constant 0 : i32
      %dma_wait3A_12 = tpu.memref_slice %arg4[%mul3A_2, %dma_wait3A_11] : memref<1024x128xf32, #tpu.memory_space<hbm>> -> memref<32x128xf32, #tpu.memory_space<hbm>>
      %dma_wait3A_13 = arith.constant 0 : i32
      %dma_wait3A_14 = tpu.memref_slice %arg4[%mul3A_2, %dma_wait3A_13] : memref<1024x128xf32, #tpu.memory_space<hbm>> -> memref<32x128xf32, #tpu.memory_space<hbm>>
      tpu.wait_dma2 semaphore(%run_scoped3A : memref<!tpu.dma_semaphore, #tpu.memory_space<semaphore_mem>>) src(%arg6 : memref<32x128xf32, #tpu.memory_space<vmem>>) dst(%dma_wait3A_14 : memref<32x128xf32, #tpu.memory_space<hbm>>)
      tpu.yield
    }) : () -> ()
    return
  }
}

module attributes {stable_mosaic.version = 14 : i64} {
  func.func @_argmin_body(%arg0: memref<4x14x14x64xf32, #tpu.memory_space<vmem>>, %arg1: memref<512x64xf32, #tpu.memory_space<vmem>>, %arg2: memref<4x196xi32, #tpu.memory_space<vmem>>) attributes {dimension_semantics = [], scalar_prefetch = 0 : i64, scratch_operands = 0 : i64, tpu.core_type = #tpu.core_type<tc>} {
    %get3A = arith.constant 0 : index
    %get3A_0 = arith.constant 0 : index
    %get3A_1 = arith.constant 0 : index
    %get3A_2 = arith.constant 0 : index
    %get3A_3 = vector.load %arg0[%get3A, %get3A_0, %get3A_1, %get3A_2] : memref<4x14x14x64xf32, #tpu.memory_space<vmem>>, vector<4x14x14x64xf32>
    %get3A_4 = arith.constant 0 : index
    %get3A_5 = arith.constant 0 : index
    %get3A_6 = vector.load %arg1[%get3A_4, %get3A_5] : memref<512x64xf32, #tpu.memory_space<vmem>>, vector<512x64xf32>
    %transpose3A = tpu.transpose %get3A_6, [1, 0] : vector<512x64xf32> -> vector<64x512xf32>
    %reduce_min3A = arith.constant dense<0x7F800000> : vector<4x14x64xf32>
    %reduce_min3A_7 = vector.multi_reduction <minimumf>, %get3A_3, %reduce_min3A [1] : vector<4x14x14x64xf32> to vector<4x14x64xf32>
    %broadcast_in_dim3A = vector.shape_cast %reduce_min3A_7 : vector<4x14x64xf32> to vector<4x1x14x64xf32>
    %reduce_max3A = arith.constant dense<0xFF800000> : vector<4x14x64xf32>
    %reduce_max3A_8 = vector.multi_reduction <maximumf>, %get3A_3, %reduce_max3A [1] : vector<4x14x14x64xf32> to vector<4x14x64xf32>
    %broadcast_in_dim3A_9 = vector.shape_cast %reduce_max3A_8 : vector<4x14x64xf32> to vector<4x1x14x64xf32>
    %sub3A = arith.subf %broadcast_in_dim3A_9, %broadcast_in_dim3A : vector<4x1x14x64xf32>
    %add3A = arith.constant 9.99999993E-9 : f32
    %add3A_10 = vector.broadcast %add3A : f32 to vector<4x1x14x64xf32>
    %add3A_11 = arith.addf %sub3A, %add3A_10 : vector<4x1x14x64xf32>
    %sub3A_12 = vector.broadcast %broadcast_in_dim3A : vector<4x1x14x64xf32> to vector<4x14x14x64xf32>
    %sub3A_13 = arith.subf %get3A_3, %sub3A_12 : vector<4x14x14x64xf32>
    %div3A = vector.broadcast %add3A_11 : vector<4x1x14x64xf32> to vector<4x14x14x64xf32>
    %div3A_14 = arith.divf %sub3A_13, %div3A : vector<4x14x14x64xf32>
    %slice3A = vector.extract_strided_slice %div3A_14 {offsets = [0, 0, 0, 0], sizes = [1, 14, 14, 64], strides = [1, 1, 1, 1]} : vector<4x14x14x64xf32> to vector<1x14x14x64xf32>
    %squeeze3A = vector.shape_cast %slice3A : vector<1x14x14x64xf32> to vector<14x14x64xf32>
    %reshape3A = vector.shape_cast %squeeze3A : vector<14x14x64xf32> to vector<196x64xf32>
    %transpose3A_15 = tpu.transpose %reshape3A, [1, 0] : vector<196x64xf32> -> vector<64x196xf32>
    %slice3A_16 = vector.extract_strided_slice %transpose3A {offsets = [0, 0], sizes = [16, 512], strides = [1, 1]} : vector<64x512xf32> to vector<16x512xf32>
    %slice3A_17 = vector.extract_strided_slice %transpose3A_15 {offsets = [0, 0], sizes = [16, 196], strides = [1, 1]} : vector<64x196xf32> to vector<16x196xf32>
    %broadcast_in_dim3A_18 = vector.shape_cast %slice3A_16 : vector<16x512xf32> to vector<16x1x512xf32>
    %broadcast_in_dim3A_19 = vector.shape_cast %slice3A_17 : vector<16x196xf32> to vector<16x196x1xf32>
    %sub3A_20 = vector.broadcast %broadcast_in_dim3A_18 : vector<16x1x512xf32> to vector<16x196x512xf32>
    %sub3A_21 = vector.broadcast %broadcast_in_dim3A_19 : vector<16x196x1xf32> to vector<16x196x512xf32>
    %sub3A_22 = arith.subf %sub3A_20, %sub3A_21 : vector<16x196x512xf32>
    %slice3A_23 = vector.extract_strided_slice %sub3A_22 {offsets = [0, 0, 0], sizes = [8, 196, 512], strides = [1, 1, 1]} : vector<16x196x512xf32> to vector<8x196x512xf32>
    %slice3A_24 = vector.extract_strided_slice %sub3A_22 {offsets = [8, 0, 0], sizes = [8, 196, 512], strides = [1, 1, 1]} : vector<16x196x512xf32> to vector<8x196x512xf32>
    %add3A_25 = arith.addf %slice3A_23, %slice3A_24 : vector<8x196x512xf32>
    %slice3A_26 = vector.extract_strided_slice %add3A_25 {offsets = [0, 0, 0], sizes = [4, 196, 512], strides = [1, 1, 1]} : vector<8x196x512xf32> to vector<4x196x512xf32>
    %slice3A_27 = vector.extract_strided_slice %add3A_25 {offsets = [4, 0, 0], sizes = [4, 196, 512], strides = [1, 1, 1]} : vector<8x196x512xf32> to vector<4x196x512xf32>
    %add3A_28 = arith.addf %slice3A_26, %slice3A_27 : vector<4x196x512xf32>
    %slice3A_29 = vector.extract_strided_slice %add3A_28 {offsets = [0, 0, 0], sizes = [2, 196, 512], strides = [1, 1, 1]} : vector<4x196x512xf32> to vector<2x196x512xf32>
    %slice3A_30 = vector.extract_strided_slice %add3A_28 {offsets = [2, 0, 0], sizes = [2, 196, 512], strides = [1, 1, 1]} : vector<4x196x512xf32> to vector<2x196x512xf32>
    %add3A_31 = arith.addf %slice3A_29, %slice3A_30 : vector<2x196x512xf32>
    %slice3A_32 = vector.extract_strided_slice %add3A_31 {offsets = [0, 0, 0], sizes = [1, 196, 512], strides = [1, 1, 1]} : vector<2x196x512xf32> to vector<1x196x512xf32>
    %squeeze3A_33 = vector.shape_cast %slice3A_32 : vector<1x196x512xf32> to vector<196x512xf32>
    %slice3A_34 = vector.extract_strided_slice %add3A_31 {offsets = [1, 0, 0], sizes = [1, 196, 512], strides = [1, 1, 1]} : vector<2x196x512xf32> to vector<1x196x512xf32>
    %squeeze3A_35 = vector.shape_cast %slice3A_34 : vector<1x196x512xf32> to vector<196x512xf32>
    %add3A_36 = arith.addf %squeeze3A_33, %squeeze3A_35 : vector<196x512xf32>
    %slice3A_37 = vector.extract_strided_slice %transpose3A {offsets = [16, 0], sizes = [16, 512], strides = [1, 1]} : vector<64x512xf32> to vector<16x512xf32>
    %slice3A_38 = vector.extract_strided_slice %transpose3A_15 {offsets = [16, 0], sizes = [16, 196], strides = [1, 1]} : vector<64x196xf32> to vector<16x196xf32>
    %broadcast_in_dim3A_39 = vector.shape_cast %slice3A_37 : vector<16x512xf32> to vector<16x1x512xf32>
    %broadcast_in_dim3A_40 = vector.shape_cast %slice3A_38 : vector<16x196xf32> to vector<16x196x1xf32>
    %sub3A_41 = vector.broadcast %broadcast_in_dim3A_39 : vector<16x1x512xf32> to vector<16x196x512xf32>
    %sub3A_42 = vector.broadcast %broadcast_in_dim3A_40 : vector<16x196x1xf32> to vector<16x196x512xf32>
    %sub3A_43 = arith.subf %sub3A_41, %sub3A_42 : vector<16x196x512xf32>
    %slice3A_44 = vector.extract_strided_slice %sub3A_43 {offsets = [0, 0, 0], sizes = [8, 196, 512], strides = [1, 1, 1]} : vector<16x196x512xf32> to vector<8x196x512xf32>
    %slice3A_45 = vector.extract_strided_slice %sub3A_43 {offsets = [8, 0, 0], sizes = [8, 196, 512], strides = [1, 1, 1]} : vector<16x196x512xf32> to vector<8x196x512xf32>
    %add3A_46 = arith.addf %slice3A_44, %slice3A_45 : vector<8x196x512xf32>
    %slice3A_47 = vector.extract_strided_slice %add3A_46 {offsets = [0, 0, 0], sizes = [4, 196, 512], strides = [1, 1, 1]} : vector<8x196x512xf32> to vector<4x196x512xf32>
    %slice3A_48 = vector.extract_strided_slice %add3A_46 {offsets = [4, 0, 0], sizes = [4, 196, 512], strides = [1, 1, 1]} : vector<8x196x512xf32> to vector<4x196x512xf32>
    %add3A_49 = arith.addf %slice3A_47, %slice3A_48 : vector<4x196x512xf32>
    %slice3A_50 = vector.extract_strided_slice %add3A_49 {offsets = [0, 0, 0], sizes = [2, 196, 512], strides = [1, 1, 1]} : vector<4x196x512xf32> to vector<2x196x512xf32>
    %slice3A_51 = vector.extract_strided_slice %add3A_49 {offsets = [2, 0, 0], sizes = [2, 196, 512], strides = [1, 1, 1]} : vector<4x196x512xf32> to vector<2x196x512xf32>
    %add3A_52 = arith.addf %slice3A_50, %slice3A_51 : vector<2x196x512xf32>
    %slice3A_53 = vector.extract_strided_slice %add3A_52 {offsets = [0, 0, 0], sizes = [1, 196, 512], strides = [1, 1, 1]} : vector<2x196x512xf32> to vector<1x196x512xf32>
    %squeeze3A_54 = vector.shape_cast %slice3A_53 : vector<1x196x512xf32> to vector<196x512xf32>
    %slice3A_55 = vector.extract_strided_slice %add3A_52 {offsets = [1, 0, 0], sizes = [1, 196, 512], strides = [1, 1, 1]} : vector<2x196x512xf32> to vector<1x196x512xf32>
    %squeeze3A_56 = vector.shape_cast %slice3A_55 : vector<1x196x512xf32> to vector<196x512xf32>
    %add3A_57 = arith.addf %squeeze3A_54, %squeeze3A_56 : vector<196x512xf32>
    %slice3A_58 = vector.extract_strided_slice %transpose3A {offsets = [32, 0], sizes = [16, 512], strides = [1, 1]} : vector<64x512xf32> to vector<16x512xf32>
    %slice3A_59 = vector.extract_strided_slice %transpose3A_15 {offsets = [32, 0], sizes = [16, 196], strides = [1, 1]} : vector<64x196xf32> to vector<16x196xf32>
    %broadcast_in_dim3A_60 = vector.shape_cast %slice3A_58 : vector<16x512xf32> to vector<16x1x512xf32>
    %broadcast_in_dim3A_61 = vector.shape_cast %slice3A_59 : vector<16x196xf32> to vector<16x196x1xf32>
    %sub3A_62 = vector.broadcast %broadcast_in_dim3A_60 : vector<16x1x512xf32> to vector<16x196x512xf32>
    %sub3A_63 = vector.broadcast %broadcast_in_dim3A_61 : vector<16x196x1xf32> to vector<16x196x512xf32>
    %sub3A_64 = arith.subf %sub3A_62, %sub3A_63 : vector<16x196x512xf32>
    %slice3A_65 = vector.extract_strided_slice %sub3A_64 {offsets = [0, 0, 0], sizes = [8, 196, 512], strides = [1, 1, 1]} : vector<16x196x512xf32> to vector<8x196x512xf32>
    %slice3A_66 = vector.extract_strided_slice %sub3A_64 {offsets = [8, 0, 0], sizes = [8, 196, 512], strides = [1, 1, 1]} : vector<16x196x512xf32> to vector<8x196x512xf32>
    %add3A_67 = arith.addf %slice3A_65, %slice3A_66 : vector<8x196x512xf32>
    %slice3A_68 = vector.extract_strided_slice %add3A_67 {offsets = [0, 0, 0], sizes = [4, 196, 512], strides = [1, 1, 1]} : vector<8x196x512xf32> to vector<4x196x512xf32>
    %slice3A_69 = vector.extract_strided_slice %add3A_67 {offsets = [4, 0, 0], sizes = [4, 196, 512], strides = [1, 1, 1]} : vector<8x196x512xf32> to vector<4x196x512xf32>
    %add3A_70 = arith.addf %slice3A_68, %slice3A_69 : vector<4x196x512xf32>
    %slice3A_71 = vector.extract_strided_slice %add3A_70 {offsets = [0, 0, 0], sizes = [2, 196, 512], strides = [1, 1, 1]} : vector<4x196x512xf32> to vector<2x196x512xf32>
    %slice3A_72 = vector.extract_strided_slice %add3A_70 {offsets = [2, 0, 0], sizes = [2, 196, 512], strides = [1, 1, 1]} : vector<4x196x512xf32> to vector<2x196x512xf32>
    %add3A_73 = arith.addf %slice3A_71, %slice3A_72 : vector<2x196x512xf32>
    %slice3A_74 = vector.extract_strided_slice %add3A_73 {offsets = [0, 0, 0], sizes = [1, 196, 512], strides = [1, 1, 1]} : vector<2x196x512xf32> to vector<1x196x512xf32>
    %squeeze3A_75 = vector.shape_cast %slice3A_74 : vector<1x196x512xf32> to vector<196x512xf32>
    %slice3A_76 = vector.extract_strided_slice %add3A_73 {offsets = [1, 0, 0], sizes = [1, 196, 512], strides = [1, 1, 1]} : vector<2x196x512xf32> to vector<1x196x512xf32>
    %squeeze3A_77 = vector.shape_cast %slice3A_76 : vector<1x196x512xf32> to vector<196x512xf32>
    %add3A_78 = arith.addf %squeeze3A_75, %squeeze3A_77 : vector<196x512xf32>
    %slice3A_79 = vector.extract_strided_slice %transpose3A {offsets = [48, 0], sizes = [16, 512], strides = [1, 1]} : vector<64x512xf32> to vector<16x512xf32>
    %slice3A_80 = vector.extract_strided_slice %transpose3A_15 {offsets = [48, 0], sizes = [16, 196], strides = [1, 1]} : vector<64x196xf32> to vector<16x196xf32>
    %broadcast_in_dim3A_81 = vector.shape_cast %slice3A_79 : vector<16x512xf32> to vector<16x1x512xf32>
    %broadcast_in_dim3A_82 = vector.shape_cast %slice3A_80 : vector<16x196xf32> to vector<16x196x1xf32>
    %sub3A_83 = vector.broadcast %broadcast_in_dim3A_81 : vector<16x1x512xf32> to vector<16x196x512xf32>
    %sub3A_84 = vector.broadcast %broadcast_in_dim3A_82 : vector<16x196x1xf32> to vector<16x196x512xf32>
    %sub3A_85 = arith.subf %sub3A_83, %sub3A_84 : vector<16x196x512xf32>
    %slice3A_86 = vector.extract_strided_slice %sub3A_85 {offsets = [0, 0, 0], sizes = [8, 196, 512], strides = [1, 1, 1]} : vector<16x196x512xf32> to vector<8x196x512xf32>
    %slice3A_87 = vector.extract_strided_slice %sub3A_85 {offsets = [8, 0, 0], sizes = [8, 196, 512], strides = [1, 1, 1]} : vector<16x196x512xf32> to vector<8x196x512xf32>
    %add3A_88 = arith.addf %slice3A_86, %slice3A_87 : vector<8x196x512xf32>
    %slice3A_89 = vector.extract_strided_slice %add3A_88 {offsets = [0, 0, 0], sizes = [4, 196, 512], strides = [1, 1, 1]} : vector<8x196x512xf32> to vector<4x196x512xf32>
    %slice3A_90 = vector.extract_strided_slice %add3A_88 {offsets = [4, 0, 0], sizes = [4, 196, 512], strides = [1, 1, 1]} : vector<8x196x512xf32> to vector<4x196x512xf32>
    %add3A_91 = arith.addf %slice3A_89, %slice3A_90 : vector<4x196x512xf32>
    %slice3A_92 = vector.extract_strided_slice %add3A_91 {offsets = [0, 0, 0], sizes = [2, 196, 512], strides = [1, 1, 1]} : vector<4x196x512xf32> to vector<2x196x512xf32>
    %slice3A_93 = vector.extract_strided_slice %add3A_91 {offsets = [2, 0, 0], sizes = [2, 196, 512], strides = [1, 1, 1]} : vector<4x196x512xf32> to vector<2x196x512xf32>
    %add3A_94 = arith.addf %slice3A_92, %slice3A_93 : vector<2x196x512xf32>
    %slice3A_95 = vector.extract_strided_slice %add3A_94 {offsets = [0, 0, 0], sizes = [1, 196, 512], strides = [1, 1, 1]} : vector<2x196x512xf32> to vector<1x196x512xf32>
    %squeeze3A_96 = vector.shape_cast %slice3A_95 : vector<1x196x512xf32> to vector<196x512xf32>
    %slice3A_97 = vector.extract_strided_slice %add3A_94 {offsets = [1, 0, 0], sizes = [1, 196, 512], strides = [1, 1, 1]} : vector<2x196x512xf32> to vector<1x196x512xf32>
    %squeeze3A_98 = vector.shape_cast %slice3A_97 : vector<1x196x512xf32> to vector<196x512xf32>
    %add3A_99 = arith.addf %squeeze3A_96, %squeeze3A_98 : vector<196x512xf32>
    %add3A_100 = arith.addf %add3A_36, %add3A_57 : vector<196x512xf32>
    %add3A_101 = arith.addf %add3A_100, %add3A_78 : vector<196x512xf32>
    %add3A_102 = arith.addf %add3A_101, %add3A_99 : vector<196x512xf32>
    %abs3A = math.absf %add3A_102 : vector<196x512xf32>
    %reduce_min3A_103 = arith.constant dense<0x7F800000> : vector<196xf32>
    %reduce_min3A_104 = vector.multi_reduction <minimumf>, %abs3A, %reduce_min3A_103 [1] : vector<196x512xf32> to vector<196xf32>
    %broadcast_in_dim3A_105 = vector.shape_cast %reduce_min3A_104 : vector<196xf32> to vector<196x1xf32>
    %iota3A = tpu.iota {dimensions = array<i32: 1>} : vector<196x512xi32>
    %eq3A = vector.broadcast %broadcast_in_dim3A_105 : vector<196x1xf32> to vector<196x512xf32>
    %eq3A_106 = arith.cmpf oeq, %abs3A, %eq3A : vector<196x512xf32>
    %jit3A = arith.constant 512 : i32
    %broadcast_in_dim3A_107 = vector.broadcast %jit3A : i32 to vector<196x512xi32>
    %select_n3A = arith.select %eq3A_106, %iota3A, %broadcast_in_dim3A_107 : vector<196x512xi1>, vector<196x512xi32>
    %reduce_min3A_108 = arith.constant dense<2147483647> : vector<196xi32>
    %reduce_min3A_109 = vector.multi_reduction <minsi>, %select_n3A, %reduce_min3A_108 [1] : vector<196x512xi32> to vector<196xi32>
    %swap3A = arith.constant 0 : index
    %swap3A_110 = arith.constant 0 : index
    %swap3A_111 = vector.load %arg2[%swap3A, %swap3A_110] : memref<4x196xi32, #tpu.memory_space<vmem>>, vector<1x196xi32>
    %swap3A_112 = vector.shape_cast %swap3A_111 : vector<1x196xi32> to vector<196xi32>
    %swap3A_113 = vector.shape_cast %reduce_min3A_109 : vector<196xi32> to vector<1x196xi32>
    tpu.vector_store %arg2[%swap3A, %swap3A_110], %swap3A_113 {strides = array<i32>} : memref<4x196xi32, #tpu.memory_space<vmem>>, vector<1x196xi32>,
    %slice3A_114 = vector.extract_strided_slice %div3A_14 {offsets = [1, 0, 0, 0], sizes = [1, 14, 14, 64], strides = [1, 1, 1, 1]} : vector<4x14x14x64xf32> to vector<1x14x14x64xf32>
    %squeeze3A_115 = vector.shape_cast %slice3A_114 : vector<1x14x14x64xf32> to vector<14x14x64xf32>
    %reshape3A_116 = vector.shape_cast %squeeze3A_115 : vector<14x14x64xf32> to vector<196x64xf32>
    %transpose3A_117 = tpu.transpose %reshape3A_116, [1, 0] : vector<196x64xf32> -> vector<64x196xf32>
    %slice3A_118 = vector.extract_strided_slice %transpose3A {offsets = [0, 0], sizes = [16, 512], strides = [1, 1]} : vector<64x512xf32> to vector<16x512xf32>
    %slice3A_119 = vector.extract_strided_slice %transpose3A_117 {offsets = [0, 0], sizes = [16, 196], strides = [1, 1]} : vector<64x196xf32> to vector<16x196xf32>
    %broadcast_in_dim3A_120 = vector.shape_cast %slice3A_118 : vector<16x512xf32> to vector<16x1x512xf32>
    %broadcast_in_dim3A_121 = vector.shape_cast %slice3A_119 : vector<16x196xf32> to vector<16x196x1xf32>
    %sub3A_122 = vector.broadcast %broadcast_in_dim3A_120 : vector<16x1x512xf32> to vector<16x196x512xf32>
    %sub3A_123 = vector.broadcast %broadcast_in_dim3A_121 : vector<16x196x1xf32> to vector<16x196x512xf32>
    %sub3A_124 = arith.subf %sub3A_122, %sub3A_123 : vector<16x196x512xf32>
    %slice3A_125 = vector.extract_strided_slice %sub3A_124 {offsets = [0, 0, 0], sizes = [8, 196, 512], strides = [1, 1, 1]} : vector<16x196x512xf32> to vector<8x196x512xf32>
    %slice3A_126 = vector.extract_strided_slice %sub3A_124 {offsets = [8, 0, 0], sizes = [8, 196, 512], strides = [1, 1, 1]} : vector<16x196x512xf32> to vector<8x196x512xf32>
    %add3A_127 = arith.addf %slice3A_125, %slice3A_126 : vector<8x196x512xf32>
    %slice3A_128 = vector.extract_strided_slice %add3A_127 {offsets = [0, 0, 0], sizes = [4, 196, 512], strides = [1, 1, 1]} : vector<8x196x512xf32> to vector<4x196x512xf32>
    %slice3A_129 = vector.extract_strided_slice %add3A_127 {offsets = [4, 0, 0], sizes = [4, 196, 512], strides = [1, 1, 1]} : vector<8x196x512xf32> to vector<4x196x512xf32>
    %add3A_130 = arith.addf %slice3A_128, %slice3A_129 : vector<4x196x512xf32>
    %slice3A_131 = vector.extract_strided_slice %add3A_130 {offsets = [0, 0, 0], sizes = [2, 196, 512], strides = [1, 1, 1]} : vector<4x196x512xf32> to vector<2x196x512xf32>
    %slice3A_132 = vector.extract_strided_slice %add3A_130 {offsets = [2, 0, 0], sizes = [2, 196, 512], strides = [1, 1, 1]} : vector<4x196x512xf32> to vector<2x196x512xf32>
    %add3A_133 = arith.addf %slice3A_131, %slice3A_132 : vector<2x196x512xf32>
    %slice3A_134 = vector.extract_strided_slice %add3A_133 {offsets = [0, 0, 0], sizes = [1, 196, 512], strides = [1, 1, 1]} : vector<2x196x512xf32> to vector<1x196x512xf32>
    %squeeze3A_135 = vector.shape_cast %slice3A_134 : vector<1x196x512xf32> to vector<196x512xf32>
    %slice3A_136 = vector.extract_strided_slice %add3A_133 {offsets = [1, 0, 0], sizes = [1, 196, 512], strides = [1, 1, 1]} : vector<2x196x512xf32> to vector<1x196x512xf32>
    %squeeze3A_137 = vector.shape_cast %slice3A_136 : vector<1x196x512xf32> to vector<196x512xf32>
    %add3A_138 = arith.addf %squeeze3A_135, %squeeze3A_137 : vector<196x512xf32>
    %slice3A_139 = vector.extract_strided_slice %transpose3A {offsets = [16, 0], sizes = [16, 512], strides = [1, 1]} : vector<64x512xf32> to vector<16x512xf32>
    %slice3A_140 = vector.extract_strided_slice %transpose3A_117 {offsets = [16, 0], sizes = [16, 196], strides = [1, 1]} : vector<64x196xf32> to vector<16x196xf32>
    %broadcast_in_dim3A_141 = vector.shape_cast %slice3A_139 : vector<16x512xf32> to vector<16x1x512xf32>
    %broadcast_in_dim3A_142 = vector.shape_cast %slice3A_140 : vector<16x196xf32> to vector<16x196x1xf32>
    %sub3A_143 = vector.broadcast %broadcast_in_dim3A_141 : vector<16x1x512xf32> to vector<16x196x512xf32>
    %sub3A_144 = vector.broadcast %broadcast_in_dim3A_142 : vector<16x196x1xf32> to vector<16x196x512xf32>
    %sub3A_145 = arith.subf %sub3A_143, %sub3A_144 : vector<16x196x512xf32>
    %slice3A_146 = vector.extract_strided_slice %sub3A_145 {offsets = [0, 0, 0], sizes = [8, 196, 512], strides = [1, 1, 1]} : vector<16x196x512xf32> to vector<8x196x512xf32>
    %slice3A_147 = vector.extract_strided_slice %sub3A_145 {offsets = [8, 0, 0], sizes = [8, 196, 512], strides = [1, 1, 1]} : vector<16x196x512xf32> to vector<8x196x512xf32>
    %add3A_148 = arith.addf %slice3A_146, %slice3A_147 : vector<8x196x512xf32>
    %slice3A_149 = vector.extract_strided_slice %add3A_148 {offsets = [0, 0, 0], sizes = [4, 196, 512], strides = [1, 1, 1]} : vector<8x196x512xf32> to vector<4x196x512xf32>
    %slice3A_150 = vector.extract_strided_slice %add3A_148 {offsets = [4, 0, 0], sizes = [4, 196, 512], strides = [1, 1, 1]} : vector<8x196x512xf32> to vector<4x196x512xf32>
    %add3A_151 = arith.addf %slice3A_149, %slice3A_150 : vector<4x196x512xf32>
    %slice3A_152 = vector.extract_strided_slice %add3A_151 {offsets = [0, 0, 0], sizes = [2, 196, 512], strides = [1, 1, 1]} : vector<4x196x512xf32> to vector<2x196x512xf32>
    %slice3A_153 = vector.extract_strided_slice %add3A_151 {offsets = [2, 0, 0], sizes = [2, 196, 512], strides = [1, 1, 1]} : vector<4x196x512xf32> to vector<2x196x512xf32>
    %add3A_154 = arith.addf %slice3A_152, %slice3A_153 : vector<2x196x512xf32>
    %slice3A_155 = vector.extract_strided_slice %add3A_154 {offsets = [0, 0, 0], sizes = [1, 196, 512], strides = [1, 1, 1]} : vector<2x196x512xf32> to vector<1x196x512xf32>
    %squeeze3A_156 = vector.shape_cast %slice3A_155 : vector<1x196x512xf32> to vector<196x512xf32>
    %slice3A_157 = vector.extract_strided_slice %add3A_154 {offsets = [1, 0, 0], sizes = [1, 196, 512], strides = [1, 1, 1]} : vector<2x196x512xf32> to vector<1x196x512xf32>
    %squeeze3A_158 = vector.shape_cast %slice3A_157 : vector<1x196x512xf32> to vector<196x512xf32>
    %add3A_159 = arith.addf %squeeze3A_156, %squeeze3A_158 : vector<196x512xf32>
    %slice3A_160 = vector.extract_strided_slice %transpose3A {offsets = [32, 0], sizes = [16, 512], strides = [1, 1]} : vector<64x512xf32> to vector<16x512xf32>
    %slice3A_161 = vector.extract_strided_slice %transpose3A_117 {offsets = [32, 0], sizes = [16, 196], strides = [1, 1]} : vector<64x196xf32> to vector<16x196xf32>
    %broadcast_in_dim3A_162 = vector.shape_cast %slice3A_160 : vector<16x512xf32> to vector<16x1x512xf32>
    %broadcast_in_dim3A_163 = vector.shape_cast %slice3A_161 : vector<16x196xf32> to vector<16x196x1xf32>
    %sub3A_164 = vector.broadcast %broadcast_in_dim3A_162 : vector<16x1x512xf32> to vector<16x196x512xf32>
    %sub3A_165 = vector.broadcast %broadcast_in_dim3A_163 : vector<16x196x1xf32> to vector<16x196x512xf32>
    %sub3A_166 = arith.subf %sub3A_164, %sub3A_165 : vector<16x196x512xf32>
    %slice3A_167 = vector.extract_strided_slice %sub3A_166 {offsets = [0, 0, 0], sizes = [8, 196, 512], strides = [1, 1, 1]} : vector<16x196x512xf32> to vector<8x196x512xf32>
    %slice3A_168 = vector.extract_strided_slice %sub3A_166 {offsets = [8, 0, 0], sizes = [8, 196, 512], strides = [1, 1, 1]} : vector<16x196x512xf32> to vector<8x196x512xf32>
    %add3A_169 = arith.addf %slice3A_167, %slice3A_168 : vector<8x196x512xf32>
    %slice3A_170 = vector.extract_strided_slice %add3A_169 {offsets = [0, 0, 0], sizes = [4, 196, 512], strides = [1, 1, 1]} : vector<8x196x512xf32> to vector<4x196x512xf32>
    %slice3A_171 = vector.extract_strided_slice %add3A_169 {offsets = [4, 0, 0], sizes = [4, 196, 512], strides = [1, 1, 1]} : vector<8x196x512xf32> to vector<4x196x512xf32>
    %add3A_172 = arith.addf %slice3A_170, %slice3A_171 : vector<4x196x512xf32>
    %slice3A_173 = vector.extract_strided_slice %add3A_172 {offsets = [0, 0, 0], sizes = [2, 196, 512], strides = [1, 1, 1]} : vector<4x196x512xf32> to vector<2x196x512xf32>
    %slice3A_174 = vector.extract_strided_slice %add3A_172 {offsets = [2, 0, 0], sizes = [2, 196, 512], strides = [1, 1, 1]} : vector<4x196x512xf32> to vector<2x196x512xf32>
    %add3A_175 = arith.addf %slice3A_173, %slice3A_174 : vector<2x196x512xf32>
    %slice3A_176 = vector.extract_strided_slice %add3A_175 {offsets = [0, 0, 0], sizes = [1, 196, 512], strides = [1, 1, 1]} : vector<2x196x512xf32> to vector<1x196x512xf32>
    %squeeze3A_177 = vector.shape_cast %slice3A_176 : vector<1x196x512xf32> to vector<196x512xf32>
    %slice3A_178 = vector.extract_strided_slice %add3A_175 {offsets = [1, 0, 0], sizes = [1, 196, 512], strides = [1, 1, 1]} : vector<2x196x512xf32> to vector<1x196x512xf32>
    %squeeze3A_179 = vector.shape_cast %slice3A_178 : vector<1x196x512xf32> to vector<196x512xf32>
    %add3A_180 = arith.addf %squeeze3A_177, %squeeze3A_179 : vector<196x512xf32>
    %slice3A_181 = vector.extract_strided_slice %transpose3A {offsets = [48, 0], sizes = [16, 512], strides = [1, 1]} : vector<64x512xf32> to vector<16x512xf32>
    %slice3A_182 = vector.extract_strided_slice %transpose3A_117 {offsets = [48, 0], sizes = [16, 196], strides = [1, 1]} : vector<64x196xf32> to vector<16x196xf32>
    %broadcast_in_dim3A_183 = vector.shape_cast %slice3A_181 : vector<16x512xf32> to vector<16x1x512xf32>
    %broadcast_in_dim3A_184 = vector.shape_cast %slice3A_182 : vector<16x196xf32> to vector<16x196x1xf32>
    %sub3A_185 = vector.broadcast %broadcast_in_dim3A_183 : vector<16x1x512xf32> to vector<16x196x512xf32>
    %sub3A_186 = vector.broadcast %broadcast_in_dim3A_184 : vector<16x196x1xf32> to vector<16x196x512xf32>
    %sub3A_187 = arith.subf %sub3A_185, %sub3A_186 : vector<16x196x512xf32>
    %slice3A_188 = vector.extract_strided_slice %sub3A_187 {offsets = [0, 0, 0], sizes = [8, 196, 512], strides = [1, 1, 1]} : vector<16x196x512xf32> to vector<8x196x512xf32>
    %slice3A_189 = vector.extract_strided_slice %sub3A_187 {offsets = [8, 0, 0], sizes = [8, 196, 512], strides = [1, 1, 1]} : vector<16x196x512xf32> to vector<8x196x512xf32>
    %add3A_190 = arith.addf %slice3A_188, %slice3A_189 : vector<8x196x512xf32>
    %slice3A_191 = vector.extract_strided_slice %add3A_190 {offsets = [0, 0, 0], sizes = [4, 196, 512], strides = [1, 1, 1]} : vector<8x196x512xf32> to vector<4x196x512xf32>
    %slice3A_192 = vector.extract_strided_slice %add3A_190 {offsets = [4, 0, 0], sizes = [4, 196, 512], strides = [1, 1, 1]} : vector<8x196x512xf32> to vector<4x196x512xf32>
    %add3A_193 = arith.addf %slice3A_191, %slice3A_192 : vector<4x196x512xf32>
    %slice3A_194 = vector.extract_strided_slice %add3A_193 {offsets = [0, 0, 0], sizes = [2, 196, 512], strides = [1, 1, 1]} : vector<4x196x512xf32> to vector<2x196x512xf32>
    %slice3A_195 = vector.extract_strided_slice %add3A_193 {offsets = [2, 0, 0], sizes = [2, 196, 512], strides = [1, 1, 1]} : vector<4x196x512xf32> to vector<2x196x512xf32>
    %add3A_196 = arith.addf %slice3A_194, %slice3A_195 : vector<2x196x512xf32>
    %slice3A_197 = vector.extract_strided_slice %add3A_196 {offsets = [0, 0, 0], sizes = [1, 196, 512], strides = [1, 1, 1]} : vector<2x196x512xf32> to vector<1x196x512xf32>
    %squeeze3A_198 = vector.shape_cast %slice3A_197 : vector<1x196x512xf32> to vector<196x512xf32>
    %slice3A_199 = vector.extract_strided_slice %add3A_196 {offsets = [1, 0, 0], sizes = [1, 196, 512], strides = [1, 1, 1]} : vector<2x196x512xf32> to vector<1x196x512xf32>
    %squeeze3A_200 = vector.shape_cast %slice3A_199 : vector<1x196x512xf32> to vector<196x512xf32>
    %add3A_201 = arith.addf %squeeze3A_198, %squeeze3A_200 : vector<196x512xf32>
    %add3A_202 = arith.addf %add3A_138, %add3A_159 : vector<196x512xf32>
    %add3A_203 = arith.addf %add3A_202, %add3A_180 : vector<196x512xf32>
    %add3A_204 = arith.addf %add3A_203, %add3A_201 : vector<196x512xf32>
    %abs3A_205 = math.absf %add3A_204 : vector<196x512xf32>
    %reduce_min3A_206 = arith.constant dense<0x7F800000> : vector<196xf32>
    %reduce_min3A_207 = vector.multi_reduction <minimumf>, %abs3A_205, %reduce_min3A_206 [1] : vector<196x512xf32> to vector<196xf32>
    %broadcast_in_dim3A_208 = vector.shape_cast %reduce_min3A_207 : vector<196xf32> to vector<196x1xf32>
    %iota3A_209 = tpu.iota {dimensions = array<i32: 1>} : vector<196x512xi32>
    %eq3A_210 = vector.broadcast %broadcast_in_dim3A_208 : vector<196x1xf32> to vector<196x512xf32>
    %eq3A_211 = arith.cmpf oeq, %abs3A_205, %eq3A_210 : vector<196x512xf32>
    %jit3A_212 = arith.constant 512 : i32
    %broadcast_in_dim3A_213 = vector.broadcast %jit3A_212 : i32 to vector<196x512xi32>
    %select_n3A_214 = arith.select %eq3A_211, %iota3A_209, %broadcast_in_dim3A_213 : vector<196x512xi1>, vector<196x512xi32>
    %reduce_min3A_215 = arith.constant dense<2147483647> : vector<196xi32>
    %reduce_min3A_216 = vector.multi_reduction <minsi>, %select_n3A_214, %reduce_min3A_215 [1] : vector<196x512xi32> to vector<196xi32>
    %swap3A_217 = arith.constant 1 : index
    %swap3A_218 = arith.constant 0 : index
    %swap3A_219 = vector.load %arg2[%swap3A_217, %swap3A_218] : memref<4x196xi32, #tpu.memory_space<vmem>>, vector<1x196xi32>
    %swap3A_220 = vector.shape_cast %swap3A_219 : vector<1x196xi32> to vector<196xi32>
    %swap3A_221 = vector.shape_cast %reduce_min3A_216 : vector<196xi32> to vector<1x196xi32>
    tpu.vector_store %arg2[%swap3A_217, %swap3A_218], %swap3A_221 {strides = array<i32>} : memref<4x196xi32, #tpu.memory_space<vmem>>, vector<1x196xi32>,
    %slice3A_222 = vector.extract_strided_slice %div3A_14 {offsets = [2, 0, 0, 0], sizes = [1, 14, 14, 64], strides = [1, 1, 1, 1]} : vector<4x14x14x64xf32> to vector<1x14x14x64xf32>
    %squeeze3A_223 = vector.shape_cast %slice3A_222 : vector<1x14x14x64xf32> to vector<14x14x64xf32>
    %reshape3A_224 = vector.shape_cast %squeeze3A_223 : vector<14x14x64xf32> to vector<196x64xf32>
    %transpose3A_225 = tpu.transpose %reshape3A_224, [1, 0] : vector<196x64xf32> -> vector<64x196xf32>
    %slice3A_226 = vector.extract_strided_slice %transpose3A {offsets = [0, 0], sizes = [16, 512], strides = [1, 1]} : vector<64x512xf32> to vector<16x512xf32>
    %slice3A_227 = vector.extract_strided_slice %transpose3A_225 {offsets = [0, 0], sizes = [16, 196], strides = [1, 1]} : vector<64x196xf32> to vector<16x196xf32>
    %broadcast_in_dim3A_228 = vector.shape_cast %slice3A_226 : vector<16x512xf32> to vector<16x1x512xf32>
    %broadcast_in_dim3A_229 = vector.shape_cast %slice3A_227 : vector<16x196xf32> to vector<16x196x1xf32>
    %sub3A_230 = vector.broadcast %broadcast_in_dim3A_228 : vector<16x1x512xf32> to vector<16x196x512xf32>
    %sub3A_231 = vector.broadcast %broadcast_in_dim3A_229 : vector<16x196x1xf32> to vector<16x196x512xf32>
    %sub3A_232 = arith.subf %sub3A_230, %sub3A_231 : vector<16x196x512xf32>
    %slice3A_233 = vector.extract_strided_slice %sub3A_232 {offsets = [0, 0, 0], sizes = [8, 196, 512], strides = [1, 1, 1]} : vector<16x196x512xf32> to vector<8x196x512xf32>
    %slice3A_234 = vector.extract_strided_slice %sub3A_232 {offsets = [8, 0, 0], sizes = [8, 196, 512], strides = [1, 1, 1]} : vector<16x196x512xf32> to vector<8x196x512xf32>
    %add3A_235 = arith.addf %slice3A_233, %slice3A_234 : vector<8x196x512xf32>
    %slice3A_236 = vector.extract_strided_slice %add3A_235 {offsets = [0, 0, 0], sizes = [4, 196, 512], strides = [1, 1, 1]} : vector<8x196x512xf32> to vector<4x196x512xf32>
    %slice3A_237 = vector.extract_strided_slice %add3A_235 {offsets = [4, 0, 0], sizes = [4, 196, 512], strides = [1, 1, 1]} : vector<8x196x512xf32> to vector<4x196x512xf32>
    %add3A_238 = arith.addf %slice3A_236, %slice3A_237 : vector<4x196x512xf32>
    %slice3A_239 = vector.extract_strided_slice %add3A_238 {offsets = [0, 0, 0], sizes = [2, 196, 512], strides = [1, 1, 1]} : vector<4x196x512xf32> to vector<2x196x512xf32>
    %slice3A_240 = vector.extract_strided_slice %add3A_238 {offsets = [2, 0, 0], sizes = [2, 196, 512], strides = [1, 1, 1]} : vector<4x196x512xf32> to vector<2x196x512xf32>
    %add3A_241 = arith.addf %slice3A_239, %slice3A_240 : vector<2x196x512xf32>
    %slice3A_242 = vector.extract_strided_slice %add3A_241 {offsets = [0, 0, 0], sizes = [1, 196, 512], strides = [1, 1, 1]} : vector<2x196x512xf32> to vector<1x196x512xf32>
    %squeeze3A_243 = vector.shape_cast %slice3A_242 : vector<1x196x512xf32> to vector<196x512xf32>
    %slice3A_244 = vector.extract_strided_slice %add3A_241 {offsets = [1, 0, 0], sizes = [1, 196, 512], strides = [1, 1, 1]} : vector<2x196x512xf32> to vector<1x196x512xf32>
    %squeeze3A_245 = vector.shape_cast %slice3A_244 : vector<1x196x512xf32> to vector<196x512xf32>
    %add3A_246 = arith.addf %squeeze3A_243, %squeeze3A_245 : vector<196x512xf32>
    %slice3A_247 = vector.extract_strided_slice %transpose3A {offsets = [16, 0], sizes = [16, 512], strides = [1, 1]} : vector<64x512xf32> to vector<16x512xf32>
    %slice3A_248 = vector.extract_strided_slice %transpose3A_225 {offsets = [16, 0], sizes = [16, 196], strides = [1, 1]} : vector<64x196xf32> to vector<16x196xf32>
    %broadcast_in_dim3A_249 = vector.shape_cast %slice3A_247 : vector<16x512xf32> to vector<16x1x512xf32>
    %broadcast_in_dim3A_250 = vector.shape_cast %slice3A_248 : vector<16x196xf32> to vector<16x196x1xf32>
    %sub3A_251 = vector.broadcast %broadcast_in_dim3A_249 : vector<16x1x512xf32> to vector<16x196x512xf32>
    %sub3A_252 = vector.broadcast %broadcast_in_dim3A_250 : vector<16x196x1xf32> to vector<16x196x512xf32>
    %sub3A_253 = arith.subf %sub3A_251, %sub3A_252 : vector<16x196x512xf32>
    %slice3A_254 = vector.extract_strided_slice %sub3A_253 {offsets = [0, 0, 0], sizes = [8, 196, 512], strides = [1, 1, 1]} : vector<16x196x512xf32> to vector<8x196x512xf32>
    %slice3A_255 = vector.extract_strided_slice %sub3A_253 {offsets = [8, 0, 0], sizes = [8, 196, 512], strides = [1, 1, 1]} : vector<16x196x512xf32> to vector<8x196x512xf32>
    %add3A_256 = arith.addf %slice3A_254, %slice3A_255 : vector<8x196x512xf32>
    %slice3A_257 = vector.extract_strided_slice %add3A_256 {offsets = [0, 0, 0], sizes = [4, 196, 512], strides = [1, 1, 1]} : vector<8x196x512xf32> to vector<4x196x512xf32>
    %slice3A_258 = vector.extract_strided_slice %add3A_256 {offsets = [4, 0, 0], sizes = [4, 196, 512], strides = [1, 1, 1]} : vector<8x196x512xf32> to vector<4x196x512xf32>
    %add3A_259 = arith.addf %slice3A_257, %slice3A_258 : vector<4x196x512xf32>
    %slice3A_260 = vector.extract_strided_slice %add3A_259 {offsets = [0, 0, 0], sizes = [2, 196, 512], strides = [1, 1, 1]} : vector<4x196x512xf32> to vector<2x196x512xf32>
    %slice3A_261 = vector.extract_strided_slice %add3A_259 {offsets = [2, 0, 0], sizes = [2, 196, 512], strides = [1, 1, 1]} : vector<4x196x512xf32> to vector<2x196x512xf32>
    %add3A_262 = arith.addf %slice3A_260, %slice3A_261 : vector<2x196x512xf32>
    %slice3A_263 = vector.extract_strided_slice %add3A_262 {offsets = [0, 0, 0], sizes = [1, 196, 512], strides = [1, 1, 1]} : vector<2x196x512xf32> to vector<1x196x512xf32>
    %squeeze3A_264 = vector.shape_cast %slice3A_263 : vector<1x196x512xf32> to vector<196x512xf32>
    %slice3A_265 = vector.extract_strided_slice %add3A_262 {offsets = [1, 0, 0], sizes = [1, 196, 512], strides = [1, 1, 1]} : vector<2x196x512xf32> to vector<1x196x512xf32>
    %squeeze3A_266 = vector.shape_cast %slice3A_265 : vector<1x196x512xf32> to vector<196x512xf32>
    %add3A_267 = arith.addf %squeeze3A_264, %squeeze3A_266 : vector<196x512xf32>
    %slice3A_268 = vector.extract_strided_slice %transpose3A {offsets = [32, 0], sizes = [16, 512], strides = [1, 1]} : vector<64x512xf32> to vector<16x512xf32>
    %slice3A_269 = vector.extract_strided_slice %transpose3A_225 {offsets = [32, 0], sizes = [16, 196], strides = [1, 1]} : vector<64x196xf32> to vector<16x196xf32>
    %broadcast_in_dim3A_270 = vector.shape_cast %slice3A_268 : vector<16x512xf32> to vector<16x1x512xf32>
    %broadcast_in_dim3A_271 = vector.shape_cast %slice3A_269 : vector<16x196xf32> to vector<16x196x1xf32>
    %sub3A_272 = vector.broadcast %broadcast_in_dim3A_270 : vector<16x1x512xf32> to vector<16x196x512xf32>
    %sub3A_273 = vector.broadcast %broadcast_in_dim3A_271 : vector<16x196x1xf32> to vector<16x196x512xf32>
    %sub3A_274 = arith.subf %sub3A_272, %sub3A_273 : vector<16x196x512xf32>
    %slice3A_275 = vector.extract_strided_slice %sub3A_274 {offsets = [0, 0, 0], sizes = [8, 196, 512], strides = [1, 1, 1]} : vector<16x196x512xf32> to vector<8x196x512xf32>
    %slice3A_276 = vector.extract_strided_slice %sub3A_274 {offsets = [8, 0, 0], sizes = [8, 196, 512], strides = [1, 1, 1]} : vector<16x196x512xf32> to vector<8x196x512xf32>
    %add3A_277 = arith.addf %slice3A_275, %slice3A_276 : vector<8x196x512xf32>
    %slice3A_278 = vector.extract_strided_slice %add3A_277 {offsets = [0, 0, 0], sizes = [4, 196, 512], strides = [1, 1, 1]} : vector<8x196x512xf32> to vector<4x196x512xf32>
    %slice3A_279 = vector.extract_strided_slice %add3A_277 {offsets = [4, 0, 0], sizes = [4, 196, 512], strides = [1, 1, 1]} : vector<8x196x512xf32> to vector<4x196x512xf32>
    %add3A_280 = arith.addf %slice3A_278, %slice3A_279 : vector<4x196x512xf32>
    %slice3A_281 = vector.extract_strided_slice %add3A_280 {offsets = [0, 0, 0], sizes = [2, 196, 512], strides = [1, 1, 1]} : vector<4x196x512xf32> to vector<2x196x512xf32>
    %slice3A_282 = vector.extract_strided_slice %add3A_280 {offsets = [2, 0, 0], sizes = [2, 196, 512], strides = [1, 1, 1]} : vector<4x196x512xf32> to vector<2x196x512xf32>
    %add3A_283 = arith.addf %slice3A_281, %slice3A_282 : vector<2x196x512xf32>
    %slice3A_284 = vector.extract_strided_slice %add3A_283 {offsets = [0, 0, 0], sizes = [1, 196, 512], strides = [1, 1, 1]} : vector<2x196x512xf32> to vector<1x196x512xf32>
    %squeeze3A_285 = vector.shape_cast %slice3A_284 : vector<1x196x512xf32> to vector<196x512xf32>
    %slice3A_286 = vector.extract_strided_slice %add3A_283 {offsets = [1, 0, 0], sizes = [1, 196, 512], strides = [1, 1, 1]} : vector<2x196x512xf32> to vector<1x196x512xf32>
    %squeeze3A_287 = vector.shape_cast %slice3A_286 : vector<1x196x512xf32> to vector<196x512xf32>
    %add3A_288 = arith.addf %squeeze3A_285, %squeeze3A_287 : vector<196x512xf32>
    %slice3A_289 = vector.extract_strided_slice %transpose3A {offsets = [48, 0], sizes = [16, 512], strides = [1, 1]} : vector<64x512xf32> to vector<16x512xf32>
    %slice3A_290 = vector.extract_strided_slice %transpose3A_225 {offsets = [48, 0], sizes = [16, 196], strides = [1, 1]} : vector<64x196xf32> to vector<16x196xf32>
    %broadcast_in_dim3A_291 = vector.shape_cast %slice3A_289 : vector<16x512xf32> to vector<16x1x512xf32>
    %broadcast_in_dim3A_292 = vector.shape_cast %slice3A_290 : vector<16x196xf32> to vector<16x196x1xf32>
    %sub3A_293 = vector.broadcast %broadcast_in_dim3A_291 : vector<16x1x512xf32> to vector<16x196x512xf32>
    %sub3A_294 = vector.broadcast %broadcast_in_dim3A_292 : vector<16x196x1xf32> to vector<16x196x512xf32>
    %sub3A_295 = arith.subf %sub3A_293, %sub3A_294 : vector<16x196x512xf32>
    %slice3A_296 = vector.extract_strided_slice %sub3A_295 {offsets = [0, 0, 0], sizes = [8, 196, 512], strides = [1, 1, 1]} : vector<16x196x512xf32> to vector<8x196x512xf32>
    %slice3A_297 = vector.extract_strided_slice %sub3A_295 {offsets = [8, 0, 0], sizes = [8, 196, 512], strides = [1, 1, 1]} : vector<16x196x512xf32> to vector<8x196x512xf32>
    %add3A_298 = arith.addf %slice3A_296, %slice3A_297 : vector<8x196x512xf32>
    %slice3A_299 = vector.extract_strided_slice %add3A_298 {offsets = [0, 0, 0], sizes = [4, 196, 512], strides = [1, 1, 1]} : vector<8x196x512xf32> to vector<4x196x512xf32>
    %slice3A_300 = vector.extract_strided_slice %add3A_298 {offsets = [4, 0, 0], sizes = [4, 196, 512], strides = [1, 1, 1]} : vector<8x196x512xf32> to vector<4x196x512xf32>
    %add3A_301 = arith.addf %slice3A_299, %slice3A_300 : vector<4x196x512xf32>
    %slice3A_302 = vector.extract_strided_slice %add3A_301 {offsets = [0, 0, 0], sizes = [2, 196, 512], strides = [1, 1, 1]} : vector<4x196x512xf32> to vector<2x196x512xf32>
    %slice3A_303 = vector.extract_strided_slice %add3A_301 {offsets = [2, 0, 0], sizes = [2, 196, 512], strides = [1, 1, 1]} : vector<4x196x512xf32> to vector<2x196x512xf32>
    %add3A_304 = arith.addf %slice3A_302, %slice3A_303 : vector<2x196x512xf32>
    %slice3A_305 = vector.extract_strided_slice %add3A_304 {offsets = [0, 0, 0], sizes = [1, 196, 512], strides = [1, 1, 1]} : vector<2x196x512xf32> to vector<1x196x512xf32>
    %squeeze3A_306 = vector.shape_cast %slice3A_305 : vector<1x196x512xf32> to vector<196x512xf32>
    %slice3A_307 = vector.extract_strided_slice %add3A_304 {offsets = [1, 0, 0], sizes = [1, 196, 512], strides = [1, 1, 1]} : vector<2x196x512xf32> to vector<1x196x512xf32>
    %squeeze3A_308 = vector.shape_cast %slice3A_307 : vector<1x196x512xf32> to vector<196x512xf32>
    %add3A_309 = arith.addf %squeeze3A_306, %squeeze3A_308 : vector<196x512xf32>
    %add3A_310 = arith.addf %add3A_246, %add3A_267 : vector<196x512xf32>
    %add3A_311 = arith.addf %add3A_310, %add3A_288 : vector<196x512xf32>
    %add3A_312 = arith.addf %add3A_311, %add3A_309 : vector<196x512xf32>
    %abs3A_313 = math.absf %add3A_312 : vector<196x512xf32>
    %reduce_min3A_314 = arith.constant dense<0x7F800000> : vector<196xf32>
    %reduce_min3A_315 = vector.multi_reduction <minimumf>, %abs3A_313, %reduce_min3A_314 [1] : vector<196x512xf32> to vector<196xf32>
    %broadcast_in_dim3A_316 = vector.shape_cast %reduce_min3A_315 : vector<196xf32> to vector<196x1xf32>
    %iota3A_317 = tpu.iota {dimensions = array<i32: 1>} : vector<196x512xi32>
    %eq3A_318 = vector.broadcast %broadcast_in_dim3A_316 : vector<196x1xf32> to vector<196x512xf32>
    %eq3A_319 = arith.cmpf oeq, %abs3A_313, %eq3A_318 : vector<196x512xf32>
    %jit3A_320 = arith.constant 512 : i32
    %broadcast_in_dim3A_321 = vector.broadcast %jit3A_320 : i32 to vector<196x512xi32>
    %select_n3A_322 = arith.select %eq3A_319, %iota3A_317, %broadcast_in_dim3A_321 : vector<196x512xi1>, vector<196x512xi32>
    %reduce_min3A_323 = arith.constant dense<2147483647> : vector<196xi32>
    %reduce_min3A_324 = vector.multi_reduction <minsi>, %select_n3A_322, %reduce_min3A_323 [1] : vector<196x512xi32> to vector<196xi32>
    %swap3A_325 = arith.constant 2 : index
    %swap3A_326 = arith.constant 0 : index
    %swap3A_327 = vector.load %arg2[%swap3A_325, %swap3A_326] : memref<4x196xi32, #tpu.memory_space<vmem>>, vector<1x196xi32>
    %swap3A_328 = vector.shape_cast %swap3A_327 : vector<1x196xi32> to vector<196xi32>
    %swap3A_329 = vector.shape_cast %reduce_min3A_324 : vector<196xi32> to vector<1x196xi32>
    tpu.vector_store %arg2[%swap3A_325, %swap3A_326], %swap3A_329 {strides = array<i32>} : memref<4x196xi32, #tpu.memory_space<vmem>>, vector<1x196xi32>,
    %slice3A_330 = vector.extract_strided_slice %div3A_14 {offsets = [3, 0, 0, 0], sizes = [1, 14, 14, 64], strides = [1, 1, 1, 1]} : vector<4x14x14x64xf32> to vector<1x14x14x64xf32>
    %squeeze3A_331 = vector.shape_cast %slice3A_330 : vector<1x14x14x64xf32> to vector<14x14x64xf32>
    %reshape3A_332 = vector.shape_cast %squeeze3A_331 : vector<14x14x64xf32> to vector<196x64xf32>
    %transpose3A_333 = tpu.transpose %reshape3A_332, [1, 0] : vector<196x64xf32> -> vector<64x196xf32>
    %slice3A_334 = vector.extract_strided_slice %transpose3A {offsets = [0, 0], sizes = [16, 512], strides = [1, 1]} : vector<64x512xf32> to vector<16x512xf32>
    %slice3A_335 = vector.extract_strided_slice %transpose3A_333 {offsets = [0, 0], sizes = [16, 196], strides = [1, 1]} : vector<64x196xf32> to vector<16x196xf32>
    %broadcast_in_dim3A_336 = vector.shape_cast %slice3A_334 : vector<16x512xf32> to vector<16x1x512xf32>
    %broadcast_in_dim3A_337 = vector.shape_cast %slice3A_335 : vector<16x196xf32> to vector<16x196x1xf32>
    %sub3A_338 = vector.broadcast %broadcast_in_dim3A_336 : vector<16x1x512xf32> to vector<16x196x512xf32>
    %sub3A_339 = vector.broadcast %broadcast_in_dim3A_337 : vector<16x196x1xf32> to vector<16x196x512xf32>
    %sub3A_340 = arith.subf %sub3A_338, %sub3A_339 : vector<16x196x512xf32>
    %slice3A_341 = vector.extract_strided_slice %sub3A_340 {offsets = [0, 0, 0], sizes = [8, 196, 512], strides = [1, 1, 1]} : vector<16x196x512xf32> to vector<8x196x512xf32>
    %slice3A_342 = vector.extract_strided_slice %sub3A_340 {offsets = [8, 0, 0], sizes = [8, 196, 512], strides = [1, 1, 1]} : vector<16x196x512xf32> to vector<8x196x512xf32>
    %add3A_343 = arith.addf %slice3A_341, %slice3A_342 : vector<8x196x512xf32>
    %slice3A_344 = vector.extract_strided_slice %add3A_343 {offsets = [0, 0, 0], sizes = [4, 196, 512], strides = [1, 1, 1]} : vector<8x196x512xf32> to vector<4x196x512xf32>
    %slice3A_345 = vector.extract_strided_slice %add3A_343 {offsets = [4, 0, 0], sizes = [4, 196, 512], strides = [1, 1, 1]} : vector<8x196x512xf32> to vector<4x196x512xf32>
    %add3A_346 = arith.addf %slice3A_344, %slice3A_345 : vector<4x196x512xf32>
    %slice3A_347 = vector.extract_strided_slice %add3A_346 {offsets = [0, 0, 0], sizes = [2, 196, 512], strides = [1, 1, 1]} : vector<4x196x512xf32> to vector<2x196x512xf32>
    %slice3A_348 = vector.extract_strided_slice %add3A_346 {offsets = [2, 0, 0], sizes = [2, 196, 512], strides = [1, 1, 1]} : vector<4x196x512xf32> to vector<2x196x512xf32>
    %add3A_349 = arith.addf %slice3A_347, %slice3A_348 : vector<2x196x512xf32>
    %slice3A_350 = vector.extract_strided_slice %add3A_349 {offsets = [0, 0, 0], sizes = [1, 196, 512], strides = [1, 1, 1]} : vector<2x196x512xf32> to vector<1x196x512xf32>
    %squeeze3A_351 = vector.shape_cast %slice3A_350 : vector<1x196x512xf32> to vector<196x512xf32>
    %slice3A_352 = vector.extract_strided_slice %add3A_349 {offsets = [1, 0, 0], sizes = [1, 196, 512], strides = [1, 1, 1]} : vector<2x196x512xf32> to vector<1x196x512xf32>
    %squeeze3A_353 = vector.shape_cast %slice3A_352 : vector<1x196x512xf32> to vector<196x512xf32>
    %add3A_354 = arith.addf %squeeze3A_351, %squeeze3A_353 : vector<196x512xf32>
    %slice3A_355 = vector.extract_strided_slice %transpose3A {offsets = [16, 0], sizes = [16, 512], strides = [1, 1]} : vector<64x512xf32> to vector<16x512xf32>
    %slice3A_356 = vector.extract_strided_slice %transpose3A_333 {offsets = [16, 0], sizes = [16, 196], strides = [1, 1]} : vector<64x196xf32> to vector<16x196xf32>
    %broadcast_in_dim3A_357 = vector.shape_cast %slice3A_355 : vector<16x512xf32> to vector<16x1x512xf32>
    %broadcast_in_dim3A_358 = vector.shape_cast %slice3A_356 : vector<16x196xf32> to vector<16x196x1xf32>
    %sub3A_359 = vector.broadcast %broadcast_in_dim3A_357 : vector<16x1x512xf32> to vector<16x196x512xf32>
    %sub3A_360 = vector.broadcast %broadcast_in_dim3A_358 : vector<16x196x1xf32> to vector<16x196x512xf32>
    %sub3A_361 = arith.subf %sub3A_359, %sub3A_360 : vector<16x196x512xf32>
    %slice3A_362 = vector.extract_strided_slice %sub3A_361 {offsets = [0, 0, 0], sizes = [8, 196, 512], strides = [1, 1, 1]} : vector<16x196x512xf32> to vector<8x196x512xf32>
    %slice3A_363 = vector.extract_strided_slice %sub3A_361 {offsets = [8, 0, 0], sizes = [8, 196, 512], strides = [1, 1, 1]} : vector<16x196x512xf32> to vector<8x196x512xf32>
    %add3A_364 = arith.addf %slice3A_362, %slice3A_363 : vector<8x196x512xf32>
    %slice3A_365 = vector.extract_strided_slice %add3A_364 {offsets = [0, 0, 0], sizes = [4, 196, 512], strides = [1, 1, 1]} : vector<8x196x512xf32> to vector<4x196x512xf32>
    %slice3A_366 = vector.extract_strided_slice %add3A_364 {offsets = [4, 0, 0], sizes = [4, 196, 512], strides = [1, 1, 1]} : vector<8x196x512xf32> to vector<4x196x512xf32>
    %add3A_367 = arith.addf %slice3A_365, %slice3A_366 : vector<4x196x512xf32>
    %slice3A_368 = vector.extract_strided_slice %add3A_367 {offsets = [0, 0, 0], sizes = [2, 196, 512], strides = [1, 1, 1]} : vector<4x196x512xf32> to vector<2x196x512xf32>
    %slice3A_369 = vector.extract_strided_slice %add3A_367 {offsets = [2, 0, 0], sizes = [2, 196, 512], strides = [1, 1, 1]} : vector<4x196x512xf32> to vector<2x196x512xf32>
    %add3A_370 = arith.addf %slice3A_368, %slice3A_369 : vector<2x196x512xf32>
    %slice3A_371 = vector.extract_strided_slice %add3A_370 {offsets = [0, 0, 0], sizes = [1, 196, 512], strides = [1, 1, 1]} : vector<2x196x512xf32> to vector<1x196x512xf32>
    %squeeze3A_372 = vector.shape_cast %slice3A_371 : vector<1x196x512xf32> to vector<196x512xf32>
    %slice3A_373 = vector.extract_strided_slice %add3A_370 {offsets = [1, 0, 0], sizes = [1, 196, 512], strides = [1, 1, 1]} : vector<2x196x512xf32> to vector<1x196x512xf32>
    %squeeze3A_374 = vector.shape_cast %slice3A_373 : vector<1x196x512xf32> to vector<196x512xf32>
    %add3A_375 = arith.addf %squeeze3A_372, %squeeze3A_374 : vector<196x512xf32>
    %slice3A_376 = vector.extract_strided_slice %transpose3A {offsets = [32, 0], sizes = [16, 512], strides = [1, 1]} : vector<64x512xf32> to vector<16x512xf32>
    %slice3A_377 = vector.extract_strided_slice %transpose3A_333 {offsets = [32, 0], sizes = [16, 196], strides = [1, 1]} : vector<64x196xf32> to vector<16x196xf32>
    %broadcast_in_dim3A_378 = vector.shape_cast %slice3A_376 : vector<16x512xf32> to vector<16x1x512xf32>
    %broadcast_in_dim3A_379 = vector.shape_cast %slice3A_377 : vector<16x196xf32> to vector<16x196x1xf32>
    %sub3A_380 = vector.broadcast %broadcast_in_dim3A_378 : vector<16x1x512xf32> to vector<16x196x512xf32>
    %sub3A_381 = vector.broadcast %broadcast_in_dim3A_379 : vector<16x196x1xf32> to vector<16x196x512xf32>
    %sub3A_382 = arith.subf %sub3A_380, %sub3A_381 : vector<16x196x512xf32>
    %slice3A_383 = vector.extract_strided_slice %sub3A_382 {offsets = [0, 0, 0], sizes = [8, 196, 512], strides = [1, 1, 1]} : vector<16x196x512xf32> to vector<8x196x512xf32>
    %slice3A_384 = vector.extract_strided_slice %sub3A_382 {offsets = [8, 0, 0], sizes = [8, 196, 512], strides = [1, 1, 1]} : vector<16x196x512xf32> to vector<8x196x512xf32>
    %add3A_385 = arith.addf %slice3A_383, %slice3A_384 : vector<8x196x512xf32>
    %slice3A_386 = vector.extract_strided_slice %add3A_385 {offsets = [0, 0, 0], sizes = [4, 196, 512], strides = [1, 1, 1]} : vector<8x196x512xf32> to vector<4x196x512xf32>
    %slice3A_387 = vector.extract_strided_slice %add3A_385 {offsets = [4, 0, 0], sizes = [4, 196, 512], strides = [1, 1, 1]} : vector<8x196x512xf32> to vector<4x196x512xf32>
    %add3A_388 = arith.addf %slice3A_386, %slice3A_387 : vector<4x196x512xf32>
    %slice3A_389 = vector.extract_strided_slice %add3A_388 {offsets = [0, 0, 0], sizes = [2, 196, 512], strides = [1, 1, 1]} : vector<4x196x512xf32> to vector<2x196x512xf32>
    %slice3A_390 = vector.extract_strided_slice %add3A_388 {offsets = [2, 0, 0], sizes = [2, 196, 512], strides = [1, 1, 1]} : vector<4x196x512xf32> to vector<2x196x512xf32>
    %add3A_391 = arith.addf %slice3A_389, %slice3A_390 : vector<2x196x512xf32>
    %slice3A_392 = vector.extract_strided_slice %add3A_391 {offsets = [0, 0, 0], sizes = [1, 196, 512], strides = [1, 1, 1]} : vector<2x196x512xf32> to vector<1x196x512xf32>
    %squeeze3A_393 = vector.shape_cast %slice3A_392 : vector<1x196x512xf32> to vector<196x512xf32>
    %slice3A_394 = vector.extract_strided_slice %add3A_391 {offsets = [1, 0, 0], sizes = [1, 196, 512], strides = [1, 1, 1]} : vector<2x196x512xf32> to vector<1x196x512xf32>
    %squeeze3A_395 = vector.shape_cast %slice3A_394 : vector<1x196x512xf32> to vector<196x512xf32>
    %add3A_396 = arith.addf %squeeze3A_393, %squeeze3A_395 : vector<196x512xf32>
    %slice3A_397 = vector.extract_strided_slice %transpose3A {offsets = [48, 0], sizes = [16, 512], strides = [1, 1]} : vector<64x512xf32> to vector<16x512xf32>
    %slice3A_398 = vector.extract_strided_slice %transpose3A_333 {offsets = [48, 0], sizes = [16, 196], strides = [1, 1]} : vector<64x196xf32> to vector<16x196xf32>
    %broadcast_in_dim3A_399 = vector.shape_cast %slice3A_397 : vector<16x512xf32> to vector<16x1x512xf32>
    %broadcast_in_dim3A_400 = vector.shape_cast %slice3A_398 : vector<16x196xf32> to vector<16x196x1xf32>
    %sub3A_401 = vector.broadcast %broadcast_in_dim3A_399 : vector<16x1x512xf32> to vector<16x196x512xf32>
    %sub3A_402 = vector.broadcast %broadcast_in_dim3A_400 : vector<16x196x1xf32> to vector<16x196x512xf32>
    %sub3A_403 = arith.subf %sub3A_401, %sub3A_402 : vector<16x196x512xf32>
    %slice3A_404 = vector.extract_strided_slice %sub3A_403 {offsets = [0, 0, 0], sizes = [8, 196, 512], strides = [1, 1, 1]} : vector<16x196x512xf32> to vector<8x196x512xf32>
    %slice3A_405 = vector.extract_strided_slice %sub3A_403 {offsets = [8, 0, 0], sizes = [8, 196, 512], strides = [1, 1, 1]} : vector<16x196x512xf32> to vector<8x196x512xf32>
    %add3A_406 = arith.addf %slice3A_404, %slice3A_405 : vector<8x196x512xf32>
    %slice3A_407 = vector.extract_strided_slice %add3A_406 {offsets = [0, 0, 0], sizes = [4, 196, 512], strides = [1, 1, 1]} : vector<8x196x512xf32> to vector<4x196x512xf32>
    %slice3A_408 = vector.extract_strided_slice %add3A_406 {offsets = [4, 0, 0], sizes = [4, 196, 512], strides = [1, 1, 1]} : vector<8x196x512xf32> to vector<4x196x512xf32>
    %add3A_409 = arith.addf %slice3A_407, %slice3A_408 : vector<4x196x512xf32>
    %slice3A_410 = vector.extract_strided_slice %add3A_409 {offsets = [0, 0, 0], sizes = [2, 196, 512], strides = [1, 1, 1]} : vector<4x196x512xf32> to vector<2x196x512xf32>
    %slice3A_411 = vector.extract_strided_slice %add3A_409 {offsets = [2, 0, 0], sizes = [2, 196, 512], strides = [1, 1, 1]} : vector<4x196x512xf32> to vector<2x196x512xf32>
    %add3A_412 = arith.addf %slice3A_410, %slice3A_411 : vector<2x196x512xf32>
    %slice3A_413 = vector.extract_strided_slice %add3A_412 {offsets = [0, 0, 0], sizes = [1, 196, 512], strides = [1, 1, 1]} : vector<2x196x512xf32> to vector<1x196x512xf32>
    %squeeze3A_414 = vector.shape_cast %slice3A_413 : vector<1x196x512xf32> to vector<196x512xf32>
    %slice3A_415 = vector.extract_strided_slice %add3A_412 {offsets = [1, 0, 0], sizes = [1, 196, 512], strides = [1, 1, 1]} : vector<2x196x512xf32> to vector<1x196x512xf32>
    %squeeze3A_416 = vector.shape_cast %slice3A_415 : vector<1x196x512xf32> to vector<196x512xf32>
    %add3A_417 = arith.addf %squeeze3A_414, %squeeze3A_416 : vector<196x512xf32>
    %add3A_418 = arith.addf %add3A_354, %add3A_375 : vector<196x512xf32>
    %add3A_419 = arith.addf %add3A_418, %add3A_396 : vector<196x512xf32>
    %add3A_420 = arith.addf %add3A_419, %add3A_417 : vector<196x512xf32>
    %abs3A_421 = math.absf %add3A_420 : vector<196x512xf32>
    %reduce_min3A_422 = arith.constant dense<0x7F800000> : vector<196xf32>
    %reduce_min3A_423 = vector.multi_reduction <minimumf>, %abs3A_421, %reduce_min3A_422 [1] : vector<196x512xf32> to vector<196xf32>
    %broadcast_in_dim3A_424 = vector.shape_cast %reduce_min3A_423 : vector<196xf32> to vector<196x1xf32>
    %iota3A_425 = tpu.iota {dimensions = array<i32: 1>} : vector<196x512xi32>
    %eq3A_426 = vector.broadcast %broadcast_in_dim3A_424 : vector<196x1xf32> to vector<196x512xf32>
    %eq3A_427 = arith.cmpf oeq, %abs3A_421, %eq3A_426 : vector<196x512xf32>
    %jit3A_428 = arith.constant 512 : i32
    %broadcast_in_dim3A_429 = vector.broadcast %jit3A_428 : i32 to vector<196x512xi32>
    %select_n3A_430 = arith.select %eq3A_427, %iota3A_425, %broadcast_in_dim3A_429 : vector<196x512xi1>, vector<196x512xi32>
    %reduce_min3A_431 = arith.constant dense<2147483647> : vector<196xi32>
    %reduce_min3A_432 = vector.multi_reduction <minsi>, %select_n3A_430, %reduce_min3A_431 [1] : vector<196x512xi32> to vector<196xi32>
    %swap3A_433 = arith.constant 3 : index
    %swap3A_434 = arith.constant 0 : index
    %swap3A_435 = vector.load %arg2[%swap3A_433, %swap3A_434] : memref<4x196xi32, #tpu.memory_space<vmem>>, vector<1x196xi32>
    %swap3A_436 = vector.shape_cast %swap3A_435 : vector<1x196xi32> to vector<196xi32>
    %swap3A_437 = vector.shape_cast %reduce_min3A_432 : vector<196xi32> to vector<1x196xi32>
    tpu.vector_store %arg2[%swap3A_433, %swap3A_434], %swap3A_437 {strides = array<i32>} : memref<4x196xi32, #tpu.memory_space<vmem>>, vector<1x196xi32>,
    return
  }
}

</mosaic_0001>

<sc_bundles>
// kernel: kernel.4.cloned.1.call-start
scs
__scs_entry_jumppad:
0x0: {  	(pc) =	sbr.rel $0x88, $3  }
0x1: {  	(tag) =	ssettag $0x0;
	lr =	simm.s32 $0x1  }
0x2: {  	[smem:$0x3F9E] =	sst lr;
	_ =	strace $0xD0000000  }
0x3: {  	_ = 	snop  }
0x4: {  	_ = 	snop  }
0x5: {  	_ = 	snop  }
0x6: {  	_ = 	snop  }
0x7: {  	_ = 	snop  }
__scs_overlays_trampoline_lowered:
0x8: {  	[smem:$0x3FAD] =	sst s0  }
0x9: {  	[smem:$0x3FAE] =	sst s1  }
0xa: {  	[smem:$0x3FAF] =	sst s2  }
0xb: {  	[smem:$0x3FB0] =	sst s3  }
0xc: {  	[smem:$0x3FB1] =	sst s4  }
0xd: {  	[smem:$0x3FB2] =	sst s5  }
0xe: {  	[smem:$0x3FB3] =	sst s6  }
0xf: {  	[smem:$0x3FB4] =	sst s7  }
0x10: {  	[smem:$0x3FB5] =	sst s8  }
0x11: {  	[smem:$0x3FB6] =	sst s9;
	s0 =	simm.s32 @!p0 $0x0  }
0x12: {  	s1 =	sld [smem:$0x3F9C];
	s0 =	simm.s32 @p0 $0x1  }
0x13: {  	[smem:$0x3FB7] =	sst s0;
	s0 =	simm.s32 @!p1 $0x0  }
0x14: {  	s2 =	sld [smem:$0x3F9B];
	s0 =	simm.s32 @p1 $0x1  }
0x15: {  	[smem:$0x3FB8] =	sst s0;
	s0 =	simm.s32 @!p2 $0x0  }
0x16: {  	s3 =	sld [smem:$0x3FDB];
	s0 =	simm.s32 @p2 $0x1  }
0x17: {  	s4 =	simm.s32 $0x1BF5;
	[smem:$0x3FBA] =	sst s0  }
0x18: {  	s0 =	sld [smem:$0x3F9D];
	_ =	swait.ge [sflag:s4], $0x0  }
0x19: {  	s7 =	sld [smem:$0x3F9E]  }
0x1a: {  	s8 =	sadd.s32 $0xFFFFE003, lr  }
0x1b: {  	s9 =	sadd.s32 $0xFFFFFEF7, lr;
	s5 =	simm.s32 $0xFFFFFFFF;
	p2 =	slt.u32 s8, $0xFFFFF086  }
0x1c: {  	p1 =	slt.u32 s9, $0xF7A;
	s5 =	simm.s32 @!p2 $0x0  }
0x1d: {  	s5 =	simm.s32 @p1 $0x1;
	p0 =	seq.s32 s7, s2  }
0x1e: {  	s7 =	smul.u32 @!p0 $0xF7A, s2;
	p2 =	seq.s32 @!p0 s5, $0x0  }
0x1f: {  	s9 =	smul.u32 $0xF7A, s1;
	s8 =	simm.s32 @!p0 $0x1BF5;
	p2 =	por !p2, p0  }
0x20: {  	[sflag:s8] =	ssyncset.s32 @!p0 $0xFFFFF086;
	s6 =	sadd.s32 @!p0 s3, s7;
	s7 =	simm.s32 @!p0 $0x108  }
0x21: {  	s3 =	sadd.s32 s3, s9;
	s6 =	sadd.s32 @!p0 $0x88, s6;
	s7 =	simm.s32 @p2 $0x1082  }
0x22: {  	[simem:s7], [sflag:s8] =	dma.local @!p0 [hbm:s6], $0xF7A  }
0x23: {  	s9 =	sor.u32 $0xD0000000, s2;
	s6 =	simm.s32 $0x108;
	_ =	swait.ge @!p0 [sflag:s8], $0x0  }
0x24: {  	s3 =	sadd.s32 $0x88, s3;
	s6 =	simm.s32 @!p1 $0x1082;
	[sflag:s4] =	ssyncset.s32 $0xFFFFF086  }
0x25: {  	[simem:s6], [sflag:s4] =	dma.local [hbm:s3], $0xF7A  }
0x26: {  	[smem:$0x3F9E] =	sst s1;
	(tag) =	ssettag s2;
	_ =	strace s9  }
0x27: {  	s1 =	sld [smem:$0x3FAE]  }
0x28: {  	s2 =	sld [smem:$0x3FAF]  }
0x29: {  	s4 =	sld [smem:$0x3FB1]  }
0x2a: {  	p0 =	seq.s32 s5, $0x0;
	s5 =	sld [smem:$0x3FB2]  }
0x2b: {  	s6 =	sld [smem:$0x3FB3]  }
0x2c: {  	s7 =	sld [smem:$0x3FB4]  }
0x2d: {  	s3 =	simm.s32 $0x108;
	s8 =	sld [smem:$0x3FB5]  }
0x2e: {  	s3 =	simm.s32 @!p0 $0x1082;
	s9 =	sld [smem:$0x3FB6]  }
0x2f: {  	lr =	sadd.s32 s0, s3;
	s0 =	sld [smem:$0x3FAD]  }
0x30: {  	s3 =	sld [smem:$0x3FB0]  }
0x31: {  	[smem:$0x3FB9] =	sst s10  }
0x32: {  	s10 =	sld [smem:$0x3FB7];
	_ =	sdelay $0x3  }
0x33: {  	p0 =	seq.s32 s10, $0x1;
	s10 =	sld [smem:$0x3FB9];
	_ =	sdelay $0x3  }
0x34: {  	[smem:$0x3FB9] =	sst s10  }
0x35: {  	s10 =	sld [smem:$0x3FB8];
	_ =	sdelay $0x3  }
0x36: {  	p1 =	seq.s32 s10, $0x1;
	s10 =	sld [smem:$0x3FB9];
	_ =	sdelay $0x3  }
0x37: {  	[smem:$0x3FB9] =	sst s10  }
0x38: {  	s10 =	sld [smem:$0x3FBA]  }
0x39: {  	_ = 	snop;
	(pc) =	sbr.ind lr, $3  }
0x3a: {  	_ = 	snop  }
0x3b: {  	_ = 	snop  }
0x3c: {  	p2 =	seq.s32 s10, $0x1;
	s10 =	sld [smem:$0x3FB9]  }
0x3d: {  	_ =	shalt  }
0x3e: {  	_ =	shalt  }
0x3f: {  	_ =	shalt  }
0x40: {  	_ =	shalt  }
0x41: {  	_ =	shalt  }
0x42: {  	_ =	shalt  }
0x43: {  	_ =	shalt  }
0x44: {  	_ =	shalt  }
0x45: {  	_ =	shalt  }
0x46: {  	_ =	shalt  }
0x47: {  	_ =	shalt  }
0x48: {  	_ =	shalt  }
0x49: {  	_ =	shalt  }
0x4a: {  	_ =	shalt  }
0x4b: {  	_ =	shalt  }
0x4c: {  	_ =	shalt  }
0x4d: {  	_ =	shalt  }
0x4e: {  	_ =	shalt  }
0x4f: {  	_ =	shalt  }
0x50: {  	_ =	shalt  }
0x51: {  	_ =	shalt  }
0x52: {  	_ =	shalt  }
0x53: {  	_ =	shalt  }
0x54: {  	_ =	shalt  }
0x55: {  	_ =	shalt  }
0x56: {  	_ =	shalt  }
0x57: {  	_ =	shalt  }
0x58: {  	_ =	shalt  }
0x59: {  	_ =	shalt  }
0x5a: {  	_ =	shalt  }
0x5b: {  	_ =	shalt  }
0x5c: {  	_ =	shalt  }
0x5d: {  	_ =	shalt  }
0x5e: {  	_ =	shalt  }
0x5f: {  	_ =	shalt  }
0x60: {  	_ =	shalt  }
0x61: {  	_ =	shalt  }
0x62: {  	_ =	shalt  }
0x63: {  	_ =	shalt  }
0x64: {  	_ =	shalt  }
0x65: {  	_ =	shalt  }
0x66: {  	_ =	shalt  }
0x67: {  	_ =	shalt  }
0x68: {  	_ =	shalt  }
0x69: {  	_ =	shalt  }
0x6a: {  	_ =	shalt  }
0x6b: {  	_ =	shalt  }
0x6c: {  	_ =	shalt  }
0x6d: {  	_ =	shalt  }
0x6e: {  	_ =	shalt  }
0x6f: {  	_ =	shalt  }
0x70: {  	_ =	shalt  }
0x71: {  	_ =	shalt  }
0x72: {  	_ =	shalt  }
0x73: {  	_ =	shalt  }
0x74: {  	_ =	shalt  }
0x75: {  	_ =	shalt  }
0x76: {  	_ =	shalt  }
0x77: {  	_ =	shalt  }
0x78: {  	_ =	shalt  }
0x79: {  	_ =	shalt  }
0x7a: {  	_ =	shalt  }
0x7b: {  	_ =	shalt  }
0x7c: {  	_ =	shalt  }
0x7d: {  	_ =	shalt  }
0x7e: {  	_ =	shalt  }
0x7f: {  	_ =	shalt  }
0x80: {  	_ =	shalt  }
0x81: {  	_ =	shalt  }
0x82: {  	_ =	shalt  }
0x83: {  	_ =	shalt  }
0x84: {  	_ =	shalt  }
0x85: {  	_ =	shalt  }
0x86: {  	_ =	shalt  }
0x87: {  	_ =	shalt  }
.Lfunc_end0:
.L_simem_size_0:
called_computation_lowered:
.L_overlay_start_0:
0x88: {  	s2 =	sld [smem:$0x3FD9]  }
0x89: {  	s3 =	sld [smem:$0x3FFE];
	_ =	sdelay $0x1  }
0x8a: {  	s1 =	srdreg.scid  }
0x8b: {  	s0 =	sand.u32 $0x1, s1  }
0x8c: {  	s17 =	sshll.u32 s0, $0xA;
	s2 =	sadd.s32 s3, s2  }
0x8d: {  	s2 =	sadd.s32 s2, s17  }
0x8e: {  	[smem:$0x3FC5] =	sst s2  }
0x8f: {  	_ = 	snop  }
0x90: {  	s2 =	sld [smem:$0x3FC7]  }
0x91: {  	s18 =	sld [smem:$0x3FD0];
	(tm) =	ssettm $0x1  }
0x92: {  	s4 =	sld [smem:$0x3FFB];
	_ =	sdelay $0x3  }
0x93: {  	_ =	strace s4  }
0x94: {  	s4 =	sld [smem:$0x3FFC];
	_ =	sdelay $0x3  }
0x95: {  	_ =	strace s4  }
0x96: {  	s4 =	sld [smem:$0x3FFD];
	_ =	sdelay $0x3  }
0x97: {  	_ =	strace s4  }
0x98: {  	_ =	strace $0x8FFFFFFF  }
0x99: {  	s19 =	sld [smem:$0x3FDB];
	_ =	sdelay $0x1  }
0x9a: {  	s5 =	simm.s32 $_scs_section_size  }
0x9b: {  	s6 =	simm.s32 $_size__tile_overlayer_lowered;
	s7 =	simm.s32 $_tile_overlayer_lowered  }
0x9c: {  	s22 =	simm.s32 $0x1BFF;
	s21 =	sshll.u32 s7, $0x1;
	s4 =	sadd.s32 s5, s19  }
0x9d: {  	s8 =	simm.s32 $0x0;
	s20 =	sshll.u32 s6, $0x1;
	s6 =	sadd.s32 s21, s4  }
0x9e: {  	[timem:s8], [sflag:s22] =	dma.local [hbm:s6], s20  }
0x9f: {  	_ =	swait.ge [sflag:s22], s20  }
0xa0: {  	s5 =	ssub.s32 $0x0, s20;
	[sflag:s22] =	ssyncset.done $0x0  }
0xa1: {  	[sflag:s22] =	ssyncadd.s32 s5;
	_ =	sdelay $0x1  }
0xa2: {  	s23 =	simm.s32 $0x1B8B  }
0xa3: {  	_ =	swait.ge [sflag:s23], $0x1  }
0xa4: {  	[sflag:s23] =	ssyncset.done $0x0  }
0xa5: {  	s25 =	simm.s32 $0x1B8E;
	s24 =	sld [smem:$0x3FFE];
	[sflag:s23] =	ssyncadd.s32 $0xFFFFFFFF  }
0xa6: {  	s26 =	simm.s32 $execute0_lowered;
	[smem:$0x3FD2] =	sst s25  }
0xa7: {  	s6 =	sshll.u32 s26, $0x1;
	_ =	strace $0x80000046;
	[dreg:$0x1] =	wrdreg $0xFFFFFFFF  }
0xa8: {  	s28 =	simm.s32 $_size_execute0_lowered;
	s4 =	sadd.s32 s4, s6;
	[dreg:$0x0] =	wrdreg $0x0  }
0xa9: {  	s6 =	sshll.u32 s28, $0x1;
	[dreg:$0x2] =	wrdreg s4  }
0xaa: {  	[dreg:$0x3] =	wrdreg s6  }
0xab: {  	[dreg:$0x4] =	wrdreg $0xC0  }
0xac: {  	_ =	task [dreg:s8], $0x5FFFF  }
0xad: {  	[dreg:$0x1] =	wrdreg $0xFFFFFFFF  }
0xae: {  	[dreg:$0x0] =	wrdreg $0x60  }
0xaf: {  	[dreg:$0x2] =	wrdreg s2  }
0xb0: {  	[dreg:$0x3] =	wrdreg s18  }
0xb1: {  	[dreg:$0x4] =	wrdreg s24  }
0xb2: {  	[dreg:$0x5] =	wrdreg $0x9  }
0xb3: {  	_ =	task.clear_ibuf [dreg:s8], $0x6FFFF;
	_ =	strace $0x90000046  }
0xb4: {  	s29 =	simm.s32 $0x9;
	_ =	strace $0x80000048  }
0xb5: {  	_ =	swait.ge [sflag:s29], $0x1  }
0xb6: {  	[sflag:s29] =	ssyncadd.s32 $0xFFFFFFFF  }
0xb7: {  	_ =	strace $0x90000048  }
0xb8: {  	_ =	sfence  }
0xb9: {  	s30 =	sld [smem:$0x0];
	_ =	sdelay $0x2  }
0xba: {  	s31 =	sshll.u32 s1, $0xD;
	s1 =	sshrl.u32 s1, $0x2  }
0xbb: {  	s3 =	sand.u32 $0x4000, s31;
	s1 =	sadd.s32 s1, s30  }
0xbc: {  	s0 =	sor.u32 s3, s0;
	s1 =	sshll.u32 s1, $0x11  }
0xbd: {  	s0 =	sor.u32 s1, s0  }
0xbe: {  	s0 =	sadd.s32 $0x8F2B, s0  }
0xbf: {  	[sflag:s0] =	ssyncadd.remote.s32 $0x1  }
0xc0: {  	_ =	sfence.sel $0xFFFF  }
0xc1: {  	[dreg:$0x0] =	wrdreg $0xFFFFFFFF;
	(pc) =	sbr.abs _section_cstart, $3  }
0xc2: {  	[dreg:$0x1] =	wrdreg $0xFFFFFFFF  }
0xc3: {  	_ =	task.clear_ibuf [dreg:s8], $0x2FFFF;
	_ =	strace $0x9FFFFFFF  }
0xc4: {  	(tm) =	ssettm $0x7FFFFFFF  }
0xc5: {  	_ =	shalt  }
tec
execute0_lowered:
.L_overlay_start_1:
0x0: {  	(tag) =	ssettag $0x1  }
0x1: {  	s1 =	rddreg [dreg:$0x0];
	s2 =	srdreg.scid  }
0x2: {  	s4 =	rddreg [dreg:$0x1];
	s0 =	stileid.u32  }
0x3: {  	s9 =	rddreg [dreg:$0x2];
	s3 =	simm.s32 $0x0;
	s6 =	sand.u32 $0x1, s2  }
0x4: {  	s5 =	sshll.u32 s0, $0x6;
	s2 =	rddreg [dreg:$0x3];
	s7 =	sshll.u32 s6, $0x5  }
0x5: {  	s8 =	simm.s32 $0x1;
	[smem:$0x7FF] =	sst s3;
	s10 =	sor.u32 s7, s5  }
0x6: {  	_ =	strace $0x80000047;
	s11 =	ssub.s32 $0x2, s6;
	s5 =	sshrl.u32 s10, $0x3  }
0x7: {  	s6 =	simm.s32 $0x20;
	s5 =	sadd.s32 s4, s5;
	s4 =	simm.s32 $0x2  }
0x8: {  	[tilespmem:s3], [sflag:$0x2] =	stream.linear.gather [hbm4b:s5+s3], $0x20, $0x38;
	[tilespmem:$0x1080] =	vst v63  }
0x9: {  	s7 =	simm.s32 $0x80;
	s12 =	sshrl.u32 s11, $0x1;
	_ =	swait.ge [sflag:s4], $0x20  }
0xa: {  	s10 =	sshll.u32 s10, $0x4;
	s31 =	ssub.s32 s11, s12;
	[sflag:s4] =	ssyncset.done $0x0  }
0xb: {  	s9 =	sadd.s32 s10, s9;
	s10 =	smax.u32 s31, $0x1;
	[sflag:s4] =	ssyncadd.s32 $0xFFFFFFE0  }
0xc: {  	[tilespmem:s7], [sflag:$0x1] =	stream.indirect.gather [hbm4b:s1+s6], $0x80, s3, s6, $0xb8;
	[tilespmem:$0x1080] =	vst v63  }
0xd: {  	p0 =	sne.s32 s10, $0x1;
	_ =	swait.ge [sflag:s8], $0x1000  }
.Ltmp0:
0xe: {  	[sflag:s8] =	ssyncset.done $0x0;
	(pc) =	sbr.rel @!p0 .LBB2_2-.Ltmp0, $4  }
0xf: {  	s9 =	sadd.s32 $0x800, s9;
	[sflag:s8] =	ssyncadd.s32 $0xFFFFF000  }
0x10: {  	[hbm4b:s9+s3] =	stream.linear.scatter [tilespmem:s7], [sflag:$0x2], $0x1000, $0x38;
	[tilespmem:$0x1080] =	vst v63  }
0x11: {  	_ =	swait.ge [sflag:s4], $0x1000  }
0x12: {  	s10 =	sadd.s32 $0xFFFFFFFF, s10;
	[sflag:s4] =	ssyncset.done $0x0  }
.LBB2_1:
0x13: {  	p0 =	sne.s32 s10, $0x1;
	s10 =	sadd.s32 $0xFFFFFFFF, s10;
	[sflag:s4] =	ssyncadd.s32 $0xFFFFF000  }
0x14: {  	[tilespmem:s3], [sflag:$0x2] =	stream.linear.gather [hbm4b:s5+s3], $0x20, $0x38;
	[tilespmem:$0x1080] =	vst v63  }
0x15: {  	_ =	swait.ge [sflag:s4], $0x20  }
0x16: {  	[sflag:s4] =	ssyncset.done $0x0  }
0x17: {  	[sflag:s4] =	ssyncadd.s32 $0xFFFFFFE0  }
0x18: {  	[tilespmem:s7], [sflag:$0x1] =	stream.indirect.gather [hbm4b:s1+s6], $0x80, s3, s6, $0xb8;
	[tilespmem:$0x1080] =	vst v63  }
0x19: {  	_ =	swait.ge [sflag:s8], $0x1000  }
.Ltmp1:
0x1a: {  	[sflag:s8] =	ssyncset.done $0x0;
	(pc) =	sbr.rel @p0 .LBB2_1-.Ltmp1, $4  }
0x1b: {  	[sflag:s8] =	ssyncadd.s32 $0xFFFFF000  }
0x1c: {  	[hbm4b:s9+s3] =	stream.linear.scatter [tilespmem:s7], [sflag:$0x2], $0x1000, $0x38;
	[tilespmem:$0x1080] =	vst v63  }
0x1d: {  	_ =	swait.ge [sflag:s4], $0x1000  }
0x1e: {  	[sflag:s4] =	ssyncset.done $0x0  }
.LBB2_2:
0x1f: {  	[sflag:s4] =	ssyncadd.s32 $0xFFFFF000  }
0x20: {  	_ =	sfence.sel $0x180000  }
0x21: {  	[bflag:$0x0] =	sbarrier.arrive $0xFFFF  }
0x22: {  	p0 =	sne.s32 s0, $0x0;
	_ =	strace $0x90000047  }
0x23: {  	s0 =	sadd.s32 @!p0 $0x100000, s2;
	[bflag:$0x2] =	sbarrier.arrive $0xFFFF  }
0x24: {  	[sflag:s0] =	ssyncadd.tile.s32 @!p0 $0x1;
	_ =	shalt  }
.Lfunc_end2:
_tile_overlayer_lowered:
.L_overlay_start_2:
0x25: {  	(tag) =	ssettag $0x2  }
0x26: {  	s0 =	rddreg [dreg:$0x0];
	s2 =	stileid.u32  }
0x27: {  	s1 =	rddreg [dreg:$0x1];
	p0 =	sne.s32 s2, $0x0  }
0x28: {  	s3 =	rddreg [dreg:$0x2];
	[bflag:$0x3] =	sbarrier.arrive $0xFFFF;
	s2 =	simm.s32 @!p0 $0x1C02  }
0x29: {  	[timem:s3], [sflag:s2] =	dma.local @!p0 [hbm:s0], s1  }
0x2a: {  	s0 =	simm.s32 @!p0 $0x2  }
0x2b: {  	_ =	swait.ge @!p0 [sflag:s0], s1  }
0x2c: {  	s1 =	ssub.s32 @!p0 $0x0, s1;
	[sflag:s0] =	ssyncset.done @!p0 $0x0  }
0x2d: {  	[sflag:s0] =	ssyncadd.s32 @!p0 s1  }
0x2e: {  	[bflag:$0x3] =	sbarrier.arrive $0xFFFF  }
0x2f: {  	_ =	shalt  }

</sc_bundles>
